<compile_context>
chip_gen: v7x
topology: tpu7x:2x2x1
jax: 0.10.2.dev20260603
libtpu: 0.0.44.dev20260713+nightly
codegen_flags: <defaults>
</compile_context>

<pallas_src>
import functools

import jax
import jax.numpy as jnp
from jax import lax
from jax.experimental import pallas as pl
from jax.experimental.pallas import tpu as pltpu
from jax.experimental.pallas import tpu_sc as plsc

N = 10000
E = 320000
D = 128

NC = 2
NS = 16
NW = NC * NS
EPW = E // NW
CHUNK = 80
NCHUNK = EPW // CHUNK
N_PAD = 10240
SLICE = N_PAD // NS

_MESH = plsc.VectorSubcoreMesh(core_axis_name="c", subcore_axis_name="s")


@functools.partial(
    pl.kernel,
    out_type=jax.ShapeDtypeStruct((NC * N_PAD,), jnp.float32),
    mesh=_MESH,
    scratch_types=[
        pltpu.VMEM((CHUNK,), jnp.int32),
        pltpu.VMEM((CHUNK,), jnp.float32),
        pltpu.VMEM((SLICE,), jnp.float32),
        pltpu.VMEM_SHARED((N_PAD,), jnp.float32),
    ],
)
def _deg_kernel(dst_hbm, out_hbm, idx_v, ones_v, stage_v, acc_sh):
    c = lax.axis_index("c")
    s = lax.axis_index("s")
    wid = s * NC + c

    def zero_body(i, _):
        stage_v[pl.ds(i * 16, 16)] = jnp.zeros((16,), jnp.float32)
        return 0

    lax.fori_loop(0, SLICE // 16, zero_body, 0)
    for j in range(CHUNK // 16):
        ones_v[pl.ds(j * 16, 16)] = jnp.ones((16,), jnp.float32)

    pltpu.sync_copy(stage_v, acc_sh.at[pl.ds(s * SLICE, SLICE)])
    plsc.subcore_barrier()

    base = wid * EPW

    def body(i, _):
        pltpu.sync_copy(dst_hbm.at[pl.ds(base + i * CHUNK, CHUNK)], idx_v)
        pltpu.sync_copy(ones_v, acc_sh.at[idx_v], add=True)
        return 0

    lax.fori_loop(0, NCHUNK, body, 0)
    plsc.subcore_barrier()

    pltpu.sync_copy(acc_sh.at[pl.ds(s * SLICE, SLICE)], stage_v)
    pltpu.sync_copy(stage_v, out_hbm.at[pl.ds(c * N_PAD + s * SLICE, SLICE)])


HALF = N // 2
ACC_R = 5008
PT_S = 312
PT_L = ACC_R - 15 * PT_S
OFF_L = 15 * PT_S
EPT = E // NS
NCH = EPT // CHUNK


@functools.partial(
    pl.kernel,
    out_type=jax.ShapeDtypeStruct((NC * ACC_R, D), jnp.float32),
    mesh=_MESH,
    scratch_types=[
        pltpu.VMEM((CHUNK,), jnp.int32),
        pltpu.VMEM((CHUNK,), jnp.int32),
        pltpu.VMEM((CHUNK, D), jnp.float32),
        pltpu.VMEM((PT_L, D), jnp.float32),
        pltpu.VMEM_SHARED((ACC_R, D), jnp.float32),
        pltpu.SemaphoreType.DMA,
    ],
)
def _agg_kernel(hn_hbm, src_hbm, dst_hbm, out_hbm,
                sidx_v, didx_v, rows_v, stage_v, acc_sh, sem):
    c = lax.axis_index("c")
    s = lax.axis_index("s")

    def zero_row(i, _):
        for j in range(D // 16):
            stage_v[i, pl.ds(j * 16, 16)] = jnp.zeros((16,), jnp.float32)
        return 0

    lax.fori_loop(0, PT_L, zero_row, 0)

    @pl.when(s < 15)
    def _():
        pltpu.sync_copy(stage_v.at[pl.ds(0, PT_S)],
                        acc_sh.at[pl.ds(s * PT_S, PT_S)])

    @pl.when(s == 15)
    def _():
        pltpu.sync_copy(stage_v, acc_sh.at[pl.ds(OFF_L, PT_L)])

    plsc.subcore_barrier()

    base = s * EPT
    lo = c * HALF

    def chunk_body(i, _):
        pltpu.sync_copy(src_hbm.at[pl.ds(base + i * CHUNK, CHUNK)], sidx_v)
        cp = pltpu.async_copy(hn_hbm.at[sidx_v], rows_v, sem)
        pltpu.sync_copy(dst_hbm.at[pl.ds(base + i * CHUNK, CHUNK)], didx_v)

        def fix(j, _):
            d = didx_v[pl.ds(j * 16, 16)]
            rel = d - lo
            ok = (rel >= 0) & (rel < HALF)
            didx_v[pl.ds(j * 16, 16)] = jnp.where(ok, rel, HALF)
            return 0

        lax.fori_loop(0, CHUNK // 16, fix, 0)
        cp.wait()
        pltpu.sync_copy(rows_v, acc_sh.at[didx_v], add=True)
        return 0

    lax.fori_loop(0, NCH, chunk_body, 0)
    plsc.subcore_barrier()

    @pl.when(s < 15)
    def _():
        pltpu.sync_copy(acc_sh.at[pl.ds(s * PT_S, PT_S)],
                        stage_v.at[pl.ds(0, PT_S)])
        pltpu.sync_copy(stage_v.at[pl.ds(0, PT_S)],
                        out_hbm.at[pl.ds(c * ACC_R + s * PT_S, PT_S)])

    @pl.when(s == 15)
    def _():
        pltpu.sync_copy(acc_sh.at[pl.ds(OFF_L, PT_L)], stage_v)
        pltpu.sync_copy(stage_v, out_hbm.at[pl.ds(c * ACC_R + OFF_L, PT_L)])


def _t_first_body(x_ref, w_ref, dis_ref, out_ref):
    h = jnp.dot(x_ref[...], w_ref[...], preferred_element_type=jnp.float32)
    out_ref[...] = h * dis_ref[...]


def _t_layer_body(agg_ref, hn_ref, dis_ref, b_ref, g_ref, be_ref, w_ref,
                  t_ref, hn2_ref):
    a = jnp.concatenate(
        [agg_ref[pl.ds(0, HALF), :], agg_ref[pl.ds(ACC_R, HALF), :]], axis=0)
    t = (a + hn_ref[...]) * dis_ref[...] + b_ref[...]
    t_ref[...] = t
    u = jnp.maximum(t * g_ref[...] + be_ref[...], 0.0)
    h = jnp.dot(u, w_ref[...], preferred_element_type=jnp.float32)
    hn2_ref[...] = h * dis_ref[...]


_full = jax.ShapeDtypeStruct((N, D), jnp.float32)
_t_first = pl.pallas_call(_t_first_body, out_shape=_full)
_t_layer = pl.pallas_call(_t_layer_body, out_shape=(_full, _full))


def kernel(x, edge_index, edge_attr, W1, b1, W2, b2, W3, b3, g1, be1, g2, be2):
    src = edge_index[0]
    dst = edge_index[1]

    deg_parts = _deg_kernel(dst).reshape(NC, N_PAD)
    deg = deg_parts[0, :N] + deg_parts[1, :N] + 1.0
    dis = lax.rsqrt(deg)[:, None]

    bn = 1.0 / jnp.sqrt(jnp.float32(1.0 + 1e-5))
    ones = jnp.ones((D,), jnp.float32)
    zeros = jnp.zeros((D,), jnp.float32)
    Ws = jnp.stack([W2, W3, W1])
    bs = jnp.stack([b1, b2, b3])
    gs = jnp.stack([g1 * bn, g2 * bn, ones])
    bes = jnp.stack([be1, be2, zeros])

    hn1 = _t_first(x, W1, dis)

    def layer(hn, p):
        Wl, bl, gl, bel = p
        agg = _agg_kernel(hn, src, dst)
        t, hn_next = _t_layer(agg, hn, dis, bl[None, :], gl[None, :],
                              bel[None, :], Wl)
        return hn_next, t

    _, ts = lax.scan(layer, hn1, (Ws, bs, gs, bes))
    return (ts[-1], edge_attr)

# --- scband reference (transcript-rebuilt; emitter-appended) ---
"""Pipeline reference for scband-gcn-1202590843048 (READ-ONLY COPY).

The authoritative reference and input builder live on the scoring server;
editing this copy changes nothing except your own understanding.
"""

import jax, jax.numpy as jnp
import numpy as np

N = 10000
E = 320000
D_IN = 128
D_HID = 128
D_OUT = 128
D_EDGE = 16


def setup_inputs(seed: int = 0):
    key = jax.random.key(seed)
    ks = jax.random.split(key, 16)
    inp = {}
    inp['x'] = jax.random.normal(ks[0], (N, D_IN), dtype=jnp.float32)
    inp['edge_index'] = jax.random.randint(ks[1], (2, E), 0, N, dtype=jnp.int32)
    inp['edge_attr'] = jax.random.normal(ks[2], (E, D_EDGE), dtype=jnp.float32)
    # GCNConv layer 1 (in -> hidden)
    inp['W1'] = jax.random.normal(ks[3], (D_IN, D_HID), dtype=jnp.float32) * (1.0 / np.sqrt(D_IN))
    inp['b1'] = jnp.zeros((D_HID,), dtype=jnp.float32)
    # GCNConv layer 2 (hidden -> hidden)
    inp['W2'] = jax.random.normal(ks[4], (D_HID, D_HID), dtype=jnp.float32) * (1.0 / np.sqrt(D_HID))
    inp['b2'] = jnp.zeros((D_HID,), dtype=jnp.float32)
    # GCNConv layer 3 (hidden -> out)
    inp['W3'] = jax.random.normal(ks[5], (D_HID, D_OUT), dtype=jnp.float32) * (1.0 / np.sqrt(D_HID))
    inp['b3'] = jnp.zeros((D_OUT,), dtype=jnp.float32)
    # BatchNorm affine params (eval mode: running_mean=0, running_var=1)
    inp['g1'] = jnp.ones((D_HID,), dtype=jnp.float32)
    inp['be1'] = jnp.zeros((D_HID,), dtype=jnp.float32)
    inp['g2'] = jnp.ones((D_HID,), dtype=jnp.float32)
    inp['be2'] = jnp.zeros((D_HID,), dtype=jnp.float32)
    return inp


def gcn_conv(x, src, dst, W, b, n):
    # x' = x @ W; add self-loops; symmetric normalization D^-1/2 A D^-1/2; scatter-add; + bias
    h = x @ W
    loop = jnp.arange(n, dtype=src.dtype)
    s = jnp.concatenate([src, loop])
    d = jnp.concatenate([dst, loop])
    deg = jnp.zeros((n,), dtype=h.dtype).at[d].add(1.0)
    deg_inv_sqrt = jnp.where(deg > 0, 1.0 / jnp.sqrt(deg), 0.0)
    norm = deg_inv_sqrt[s] * deg_inv_sqrt[d]
    msg = h[s] * norm[:, None]
    out = jnp.zeros((n, h.shape[1]), dtype=h.dtype).at[d].add(msg)
    return out + b


def batch_norm_eval(x, gamma, beta, eps=1e-5):
    # eval-mode BatchNorm1d with running_mean=0, running_var=1
    return (x - 0.0) / jnp.sqrt(1.0 + eps) * gamma + beta


def reference(x, edge_index, edge_attr, W1, b1, W2, b2, W3, b3, g1, be1, g2, be2):
    src = edge_index[0]
    dst = edge_index[1]
    h = gcn_conv(x, src, dst, W1, b1, N)
    h = batch_norm_eval(h, g1, be1)
    h = jax.nn.relu(h)
    # dropout is identity in eval mode
    h = gcn_conv(h, src, dst, W2, b2, N)
    h = batch_norm_eval(h, g2, be2)
    h = jax.nn.relu(h)
    h = gcn_conv(h, src, dst, W3, b3, N)
    return (h, edge_attr)

if __name__ == "__main__":
    import jax
    _d = setup_inputs()
    print(jax.jit(kernel)(*tuple(_d.values())))

</pallas_src>

<mosaic_0001>
#map = affine_map<(d0, d1) -> (0, 0)>
#map1 = affine_map<(d0, d1) -> (0)>
module attributes {stable_mosaic.version = 14 : i64} {
  func.func @_agg_kernel(%arg0: i32, %arg1: i32, %arg2: memref<10000x128xf32, #tpu.memory_space<hbm>>, %arg3: memref<320000xi32, #tpu.memory_space<hbm>>, %arg4: memref<320000xi32, #tpu.memory_space<hbm>>, %arg5: memref<10016x128xf32, #tpu.memory_space<hbm>>, %arg6: memref<80xi32, #tpu.memory_space<vmem>>, %arg7: memref<80xi32, #tpu.memory_space<vmem>>, %arg8: memref<80x128xf32, #tpu.memory_space<vmem>>, %arg9: memref<328x128xf32, #tpu.memory_space<vmem>>, %arg10: memref<5008x128xf32, #tpu.memory_space<vmem_shared>>, %arg11: memref<!tpu.dma_semaphore, #tpu.memory_space<semaphore_mem>>) attributes {dimension_semantics = [#tpu.dimension_semantics<core_parallel>, #tpu.dimension_semantics<subcore_parallel>], iteration_bounds = array<i64: 2, 16>, scalar_prefetch = 0 : i64, scratch_operands = 6 : i64, tpu.core_type = #tpu.core_type<sc_vector_subcore>, window_params = [{transform_indices = #map}, {transform_indices = #map1}, {transform_indices = #map1}, {transform_indices = #map}]} {
    %scan3A = arith.constant 0 : i32
    %scan3A_0 = arith.constant 0 : i32
    %scan3A_1 = arith.constant 328 : i32
    %scan3A_2 = arith.addi %scan3A_0, %scan3A_1 : i32
    %scan3A_3 = arith.constant 1 : i32
    %scan3A_4 = scf.for %scan3A_33 = %scan3A_0 to %scan3A_2 step %scan3A_3 iter_args(%scan3A_34 = %scan3A) -> (i32)  : i32 {
      %broadcast_in_dim3A = arith.constant 0.000000e+00 : f32
      %broadcast_in_dim3A_35 = vector.broadcast %broadcast_in_dim3A : f32 to vector<16xf32>
      %swap3A = arith.index_cast %scan3A_33 : i32 to index
      %swap3A_36 = arith.constant 0 : index
      %swap3A_37 = tpu.vector_load %arg9[%swap3A, %swap3A_36] {strides = array<i32>} : memref<328x128xf32, #tpu.memory_space<vmem>>, vector<1x16xf32>,
      %swap3A_38 = vector.shape_cast %swap3A_37 : vector<1x16xf32> to vector<16xf32>
      %swap3A_39 = vector.shape_cast %broadcast_in_dim3A_35 : vector<16xf32> to vector<1x16xf32>
      tpu.vector_store %arg9[%swap3A, %swap3A_36], %swap3A_39 {strides = array<i32>} : memref<328x128xf32, #tpu.memory_space<vmem>>, vector<1x16xf32>,
      %broadcast_in_dim3A_40 = arith.constant 0.000000e+00 : f32
      %broadcast_in_dim3A_41 = vector.broadcast %broadcast_in_dim3A_40 : f32 to vector<16xf32>
      %swap3A_42 = arith.index_cast %scan3A_33 : i32 to index
      %swap3A_43 = arith.constant 16 : index
      %swap3A_44 = tpu.vector_load %arg9[%swap3A_42, %swap3A_43] {strides = array<i32>} : memref<328x128xf32, #tpu.memory_space<vmem>>, vector<1x16xf32>,
      %swap3A_45 = vector.shape_cast %swap3A_44 : vector<1x16xf32> to vector<16xf32>
      %swap3A_46 = vector.shape_cast %broadcast_in_dim3A_41 : vector<16xf32> to vector<1x16xf32>
      tpu.vector_store %arg9[%swap3A_42, %swap3A_43], %swap3A_46 {strides = array<i32>} : memref<328x128xf32, #tpu.memory_space<vmem>>, vector<1x16xf32>,
      %broadcast_in_dim3A_47 = arith.constant 0.000000e+00 : f32
      %broadcast_in_dim3A_48 = vector.broadcast %broadcast_in_dim3A_47 : f32 to vector<16xf32>
      %swap3A_49 = arith.index_cast %scan3A_33 : i32 to index
      %swap3A_50 = arith.constant 32 : index
      %swap3A_51 = tpu.vector_load %arg9[%swap3A_49, %swap3A_50] {strides = array<i32>} : memref<328x128xf32, #tpu.memory_space<vmem>>, vector<1x16xf32>,
      %swap3A_52 = vector.shape_cast %swap3A_51 : vector<1x16xf32> to vector<16xf32>
      %swap3A_53 = vector.shape_cast %broadcast_in_dim3A_48 : vector<16xf32> to vector<1x16xf32>
      tpu.vector_store %arg9[%swap3A_49, %swap3A_50], %swap3A_53 {strides = array<i32>} : memref<328x128xf32, #tpu.memory_space<vmem>>, vector<1x16xf32>,
      %broadcast_in_dim3A_54 = arith.constant 0.000000e+00 : f32
      %broadcast_in_dim3A_55 = vector.broadcast %broadcast_in_dim3A_54 : f32 to vector<16xf32>
      %swap3A_56 = arith.index_cast %scan3A_33 : i32 to index
      %swap3A_57 = arith.constant 48 : index
      %swap3A_58 = tpu.vector_load %arg9[%swap3A_56, %swap3A_57] {strides = array<i32>} : memref<328x128xf32, #tpu.memory_space<vmem>>, vector<1x16xf32>,
      %swap3A_59 = vector.shape_cast %swap3A_58 : vector<1x16xf32> to vector<16xf32>
      %swap3A_60 = vector.shape_cast %broadcast_in_dim3A_55 : vector<16xf32> to vector<1x16xf32>
      tpu.vector_store %arg9[%swap3A_56, %swap3A_57], %swap3A_60 {strides = array<i32>} : memref<328x128xf32, #tpu.memory_space<vmem>>, vector<1x16xf32>,
      %broadcast_in_dim3A_61 = arith.constant 0.000000e+00 : f32
      %broadcast_in_dim3A_62 = vector.broadcast %broadcast_in_dim3A_61 : f32 to vector<16xf32>
      %swap3A_63 = arith.index_cast %scan3A_33 : i32 to index
      %swap3A_64 = arith.constant 64 : index
      %swap3A_65 = tpu.vector_load %arg9[%swap3A_63, %swap3A_64] {strides = array<i32>} : memref<328x128xf32, #tpu.memory_space<vmem>>, vector<1x16xf32>,
      %swap3A_66 = vector.shape_cast %swap3A_65 : vector<1x16xf32> to vector<16xf32>
      %swap3A_67 = vector.shape_cast %broadcast_in_dim3A_62 : vector<16xf32> to vector<1x16xf32>
      tpu.vector_store %arg9[%swap3A_63, %swap3A_64], %swap3A_67 {strides = array<i32>} : memref<328x128xf32, #tpu.memory_space<vmem>>, vector<1x16xf32>,
      %broadcast_in_dim3A_68 = arith.constant 0.000000e+00 : f32
      %broadcast_in_dim3A_69 = vector.broadcast %broadcast_in_dim3A_68 : f32 to vector<16xf32>
      %swap3A_70 = arith.index_cast %scan3A_33 : i32 to index
      %swap3A_71 = arith.constant 80 : index
      %swap3A_72 = tpu.vector_load %arg9[%swap3A_70, %swap3A_71] {strides = array<i32>} : memref<328x128xf32, #tpu.memory_space<vmem>>, vector<1x16xf32>,
      %swap3A_73 = vector.shape_cast %swap3A_72 : vector<1x16xf32> to vector<16xf32>
      %swap3A_74 = vector.shape_cast %broadcast_in_dim3A_69 : vector<16xf32> to vector<1x16xf32>
      tpu.vector_store %arg9[%swap3A_70, %swap3A_71], %swap3A_74 {strides = array<i32>} : memref<328x128xf32, #tpu.memory_space<vmem>>, vector<1x16xf32>,
      %broadcast_in_dim3A_75 = arith.constant 0.000000e+00 : f32
      %broadcast_in_dim3A_76 = vector.broadcast %broadcast_in_dim3A_75 : f32 to vector<16xf32>
      %swap3A_77 = arith.index_cast %scan3A_33 : i32 to index
      %swap3A_78 = arith.constant 96 : index
      %swap3A_79 = tpu.vector_load %arg9[%swap3A_77, %swap3A_78] {strides = array<i32>} : memref<328x128xf32, #tpu.memory_space<vmem>>, vector<1x16xf32>,
      %swap3A_80 = vector.shape_cast %swap3A_79 : vector<1x16xf32> to vector<16xf32>
      %swap3A_81 = vector.shape_cast %broadcast_in_dim3A_76 : vector<16xf32> to vector<1x16xf32>
      tpu.vector_store %arg9[%swap3A_77, %swap3A_78], %swap3A_81 {strides = array<i32>} : memref<328x128xf32, #tpu.memory_space<vmem>>, vector<1x16xf32>,
      %broadcast_in_dim3A_82 = arith.constant 0.000000e+00 : f32
      %broadcast_in_dim3A_83 = vector.broadcast %broadcast_in_dim3A_82 : f32 to vector<16xf32>
      %swap3A_84 = arith.index_cast %scan3A_33 : i32 to index
      %swap3A_85 = arith.constant 112 : index
      %swap3A_86 = tpu.vector_load %arg9[%swap3A_84, %swap3A_85] {strides = array<i32>} : memref<328x128xf32, #tpu.memory_space<vmem>>, vector<1x16xf32>,
      %swap3A_87 = vector.shape_cast %swap3A_86 : vector<1x16xf32> to vector<16xf32>
      %swap3A_88 = vector.shape_cast %broadcast_in_dim3A_83 : vector<16xf32> to vector<1x16xf32>
      tpu.vector_store %arg9[%swap3A_84, %swap3A_85], %swap3A_88 {strides = array<i32>} : memref<328x128xf32, #tpu.memory_space<vmem>>, vector<1x16xf32>,
      %scan3A_89 = arith.constant 0 : i32
      scf.yield %scan3A_89 : i32
    }
    %scan3A_5 = arith.constant 328 : i32
    %lt3A = arith.constant 15 : i32
    %lt3A_6 = arith.cmpi slt, %arg1, %lt3A : i32
    %convert_element_type3A = arith.extui %lt3A_6 : i1 to i32
    %cond3A = arith.constant 0 : i32
    %cond3A_7 = arith.cmpi ne, %convert_element_type3A, %cond3A : i32
    scf.if %cond3A_7 {
      %mul3A_33 = arith.constant 312 : i32
      %mul3A_34 = arith.muli %arg1, %mul3A_33 : i32
      "tpu.region"() ({
        %run_scoped3A = tpu.sem_alloc : memref<!tpu.dma_semaphore, #tpu.memory_space<semaphore_mem>>
        %dma_start3A = arith.constant 0 : i32
        %dma_start3A_35 = arith.constant 0 : i32
        %dma_start3A_36 = tpu.memref_slice %arg9[%dma_start3A, %dma_start3A_35] : memref<328x128xf32, #tpu.memory_space<vmem>> -> memref<312x128xf32, #tpu.memory_space<vmem>>
        %dma_start3A_37 = arith.constant 0 : i32
        %dma_start3A_38 = tpu.memref_slice %arg10[%mul3A_34, %dma_start3A_37] : memref<5008x128xf32, #tpu.memory_space<vmem_shared>> -> memref<312x128xf32, #tpu.memory_space<vmem_shared>>
        %dma_start3A_39 = arith.constant 0 : i32
        %dma_start3A_40 = tpu.memref_slice %arg10[%mul3A_34, %dma_start3A_39] : memref<5008x128xf32, #tpu.memory_space<vmem_shared>> -> memref<312x128xf32, #tpu.memory_space<vmem_shared>>
        %dma_start3A_41 = arith.constant 0 : i32
        %dma_start3A_42 = arith.constant 0 : i32
        %dma_start3A_43 = tpu.memref_slice %arg9[%dma_start3A_41, %dma_start3A_42] : memref<328x128xf32, #tpu.memory_space<vmem>> -> memref<312x128xf32, #tpu.memory_space<vmem>>
        tpu.enqueue_dma source(%dma_start3A_43 : memref<312x128xf32, #tpu.memory_space<vmem>>) target(%dma_start3A_40 : memref<312x128xf32, #tpu.memory_space<vmem_shared>>) target_semaphore(%run_scoped3A : memref<!tpu.dma_semaphore, #tpu.memory_space<semaphore_mem>>)
        %dma_wait3A = arith.constant 0 : i32
        %dma_wait3A_44 = arith.constant 0 : i32
        %dma_wait3A_45 = tpu.memref_slice %arg9[%dma_wait3A, %dma_wait3A_44] : memref<328x128xf32, #tpu.memory_space<vmem>> -> memref<312x128xf32, #tpu.memory_space<vmem>>
        %dma_wait3A_46 = arith.constant 0 : i32
        %dma_wait3A_47 = tpu.memref_slice %arg10[%mul3A_34, %dma_wait3A_46] : memref<5008x128xf32, #tpu.memory_space<vmem_shared>> -> memref<312x128xf32, #tpu.memory_space<vmem_shared>>
        %dma_wait3A_48 = arith.constant 0 : i32
        %dma_wait3A_49 = tpu.memref_slice %arg10[%mul3A_34, %dma_wait3A_48] : memref<5008x128xf32, #tpu.memory_space<vmem_shared>> -> memref<312x128xf32, #tpu.memory_space<vmem_shared>>
        %dma_wait3A_50 = arith.constant 0 : i32
        %dma_wait3A_51 = arith.constant 0 : i32
        %dma_wait3A_52 = tpu.memref_slice %arg9[%dma_wait3A_50, %dma_wait3A_51] : memref<328x128xf32, #tpu.memory_space<vmem>> -> memref<312x128xf32, #tpu.memory_space<vmem>>
        tpu.wait_dma2 semaphore(%run_scoped3A : memref<!tpu.dma_semaphore, #tpu.memory_space<semaphore_mem>>) src(%dma_wait3A_52 : memref<312x128xf32, #tpu.memory_space<vmem>>) dst(%dma_wait3A_49 : memref<312x128xf32, #tpu.memory_space<vmem_shared>>)
        tpu.yield
      }) : () -> ()
    } else {
    }
    %eq3A = arith.constant 15 : i32
    %eq3A_8 = arith.cmpi eq, %arg1, %eq3A : i32
    %convert_element_type3A_9 = arith.extui %eq3A_8 : i1 to i32
    %cond3A_10 = arith.constant 0 : i32
    %cond3A_11 = arith.cmpi ne, %convert_element_type3A_9, %cond3A_10 : i32
    scf.if %cond3A_11 {
      "tpu.region"() ({
        %run_scoped3A = tpu.sem_alloc : memref<!tpu.dma_semaphore, #tpu.memory_space<semaphore_mem>>
        %dma_start3A = arith.constant 4680 : i32
        %dma_start3A_33 = arith.constant 0 : i32
        %dma_start3A_34 = tpu.memref_slice %arg10[%dma_start3A, %dma_start3A_33] : memref<5008x128xf32, #tpu.memory_space<vmem_shared>> -> memref<328x128xf32, #tpu.memory_space<vmem_shared>>
        %dma_start3A_35 = arith.constant 4680 : i32
        %dma_start3A_36 = arith.constant 0 : i32
        %dma_start3A_37 = tpu.memref_slice %arg10[%dma_start3A_35, %dma_start3A_36] : memref<5008x128xf32, #tpu.memory_space<vmem_shared>> -> memref<328x128xf32, #tpu.memory_space<vmem_shared>>
        tpu.enqueue_dma source(%arg9 : memref<328x128xf32, #tpu.memory_space<vmem>>) target(%dma_start3A_37 : memref<328x128xf32, #tpu.memory_space<vmem_shared>>) target_semaphore(%run_scoped3A : memref<!tpu.dma_semaphore, #tpu.memory_space<semaphore_mem>>)
        %dma_wait3A = arith.constant 4680 : i32
        %dma_wait3A_38 = arith.constant 0 : i32
        %dma_wait3A_39 = tpu.memref_slice %arg10[%dma_wait3A, %dma_wait3A_38] : memref<5008x128xf32, #tpu.memory_space<vmem_shared>> -> memref<328x128xf32, #tpu.memory_space<vmem_shared>>
        %dma_wait3A_40 = arith.constant 4680 : i32
        %dma_wait3A_41 = arith.constant 0 : i32
        %dma_wait3A_42 = tpu.memref_slice %arg10[%dma_wait3A_40, %dma_wait3A_41] : memref<5008x128xf32, #tpu.memory_space<vmem_shared>> -> memref<328x128xf32, #tpu.memory_space<vmem_shared>>
        tpu.wait_dma2 semaphore(%run_scoped3A : memref<!tpu.dma_semaphore, #tpu.memory_space<semaphore_mem>>) src(%arg9 : memref<328x128xf32, #tpu.memory_space<vmem>>) dst(%dma_wait3A_42 : memref<328x128xf32, #tpu.memory_space<vmem_shared>>)
        tpu.yield
      }) : () -> ()
    } else {
    }
    %barrier3A = arith.constant 0 : index
    tpu.barrier barrier_id(%barrier3A)
    %mul3A = arith.constant 20000 : i32
    %mul3A_12 = arith.muli %arg1, %mul3A : i32
    %mul3A_13 = arith.constant 5000 : i32
    %mul3A_14 = arith.muli %arg0, %mul3A_13 : i32
    %scan3A_15 = arith.constant 0 : i32
    %scan3A_16 = arith.constant 0 : i32
    %scan3A_17 = arith.constant 250 : i32
    %scan3A_18 = arith.addi %scan3A_16, %scan3A_17 : i32
    %scan3A_19 = arith.constant 1 : i32
    %scan3A_20 = scf.for %scan3A_33 = %scan3A_16 to %scan3A_18 step %scan3A_19 iter_args(%scan3A_34 = %scan3A_15) -> (i32)  : i32 {
      %mul3A_35 = arith.constant 80 : i32
      %mul3A_36 = arith.muli %scan3A_33, %mul3A_35 : i32
      %add3A = arith.addi %mul3A_12, %mul3A_36 : i32
      "tpu.region"() ({
        %run_scoped3A = tpu.sem_alloc : memref<!tpu.dma_semaphore, #tpu.memory_space<semaphore_mem>>
        %dma_start3A_52 = tpu.memref_slice %arg3[%add3A] : memref<320000xi32, #tpu.memory_space<hbm>> -> memref<80xi32, #tpu.memory_space<hbm>>
        %dma_start3A_53 = tpu.memref_slice %arg3[%add3A] : memref<320000xi32, #tpu.memory_space<hbm>> -> memref<80xi32, #tpu.memory_space<hbm>>
        tpu.enqueue_dma source(%dma_start3A_53 : memref<80xi32, #tpu.memory_space<hbm>>) target(%arg6 : memref<80xi32, #tpu.memory_space<vmem>>) target_semaphore(%run_scoped3A : memref<!tpu.dma_semaphore, #tpu.memory_space<semaphore_mem>>)
        %dma_wait3A_54 = tpu.memref_slice %arg3[%add3A] : memref<320000xi32, #tpu.memory_space<hbm>> -> memref<80xi32, #tpu.memory_space<hbm>>
        %dma_wait3A_55 = tpu.memref_slice %arg3[%add3A] : memref<320000xi32, #tpu.memory_space<hbm>> -> memref<80xi32, #tpu.memory_space<hbm>>
        tpu.wait_dma2 semaphore(%run_scoped3A : memref<!tpu.dma_semaphore, #tpu.memory_space<semaphore_mem>>) src(%dma_wait3A_55 : memref<80xi32, #tpu.memory_space<hbm>>) dst(%arg6 : memref<80xi32, #tpu.memory_space<vmem>>)
        tpu.yield
      }) : () -> ()
      %dma_start3A = arith.constant 0 : i32
      %dma_start3A_37 = arith.constant 0 : i32
      %dma_start3A_38 = tpu.memref_slice %arg2[%dma_start3A, %dma_start3A_37] : memref<10000x128xf32, #tpu.memory_space<hbm>> -> memref<10000x128xf32, #tpu.memory_space<hbm>>
      tpu.enqueue_indirect_dma source(%dma_start3A_38 : memref<10000x128xf32, #tpu.memory_space<hbm>>) target(%arg8 : memref<80x128xf32, #tpu.memory_space<vmem>>) offsets(%arg6 : memref<80xi32, #tpu.memory_space<vmem>>) semaphore(%arg11 : memref<!tpu.dma_semaphore, #tpu.memory_space<semaphore_mem>>)
      %mul3A_39 = arith.constant 80 : i32
      %mul3A_40 = arith.muli %scan3A_33, %mul3A_39 : i32
      %add3A_41 = arith.addi %mul3A_12, %mul3A_40 : i32
      "tpu.region"() ({
        %run_scoped3A = tpu.sem_alloc : memref<!tpu.dma_semaphore, #tpu.memory_space<semaphore_mem>>
        %dma_start3A_52 = tpu.memref_slice %arg4[%add3A_41] : memref<320000xi32, #tpu.memory_space<hbm>> -> memref<80xi32, #tpu.memory_space<hbm>>
        %dma_start3A_53 = tpu.memref_slice %arg4[%add3A_41] : memref<320000xi32, #tpu.memory_space<hbm>> -> memref<80xi32, #tpu.memory_space<hbm>>
        tpu.enqueue_dma source(%dma_start3A_53 : memref<80xi32, #tpu.memory_space<hbm>>) target(%arg7 : memref<80xi32, #tpu.memory_space<vmem>>) target_semaphore(%run_scoped3A : memref<!tpu.dma_semaphore, #tpu.memory_space<semaphore_mem>>)
        %dma_wait3A_54 = tpu.memref_slice %arg4[%add3A_41] : memref<320000xi32, #tpu.memory_space<hbm>> -> memref<80xi32, #tpu.memory_space<hbm>>
        %dma_wait3A_55 = tpu.memref_slice %arg4[%add3A_41] : memref<320000xi32, #tpu.memory_space<hbm>> -> memref<80xi32, #tpu.memory_space<hbm>>
        tpu.wait_dma2 semaphore(%run_scoped3A : memref<!tpu.dma_semaphore, #tpu.memory_space<semaphore_mem>>) src(%dma_wait3A_55 : memref<80xi32, #tpu.memory_space<hbm>>) dst(%arg7 : memref<80xi32, #tpu.memory_space<vmem>>)
        tpu.yield
      }) : () -> ()
      %scan3A_42 = arith.constant 0 : i32
      %scan3A_43 = arith.constant 0 : i32
      %scan3A_44 = arith.constant 5 : i32
      %scan3A_45 = arith.addi %scan3A_43, %scan3A_44 : i32
      %scan3A_46 = arith.constant 1 : i32
      %scan3A_47 = scf.for %scan3A_52 = %scan3A_43 to %scan3A_45 step %scan3A_46 iter_args(%scan3A_53 = %scan3A_42) -> (i32)  : i32 {
        %mul3A_54 = arith.constant 16 : i32
        %mul3A_55 = arith.muli %scan3A_52, %mul3A_54 : i32
        %get3A = arith.index_cast %mul3A_55 : i32 to index
        %get3A_56 = tpu.vector_load %arg7[%get3A] {strides = array<i32>} : memref<80xi32, #tpu.memory_space<vmem>>, vector<16xi32>,
        %get3A_57 = vector.shape_cast %get3A_56 : vector<16xi32> to vector<16xi32>
        %sub3A = vector.broadcast %mul3A_14 : i32 to vector<16xi32>
        %sub3A_58 = arith.subi %get3A_57, %sub3A : vector<16xi32>
        %ge3A = arith.constant 0 : i32
        %ge3A_59 = vector.broadcast %ge3A : i32 to vector<16xi32>
        %ge3A_60 = arith.cmpi sge, %sub3A_58, %ge3A_59 : vector<16xi32>
        %lt3A_61 = arith.constant 5000 : i32
        %lt3A_62 = vector.broadcast %lt3A_61 : i32 to vector<16xi32>
        %lt3A_63 = arith.cmpi slt, %sub3A_58, %lt3A_62 : vector<16xi32>
        %and3A = arith.andi %ge3A_60, %lt3A_63 : vector<16xi1>
        %jit3A = arith.constant 5000 : i32
        %broadcast_in_dim3A = vector.broadcast %jit3A : i32 to vector<16xi32>
        %select_n3A = arith.select %and3A, %sub3A_58, %broadcast_in_dim3A : vector<16xi1>, vector<16xi32>
        %mul3A_64 = arith.constant 16 : i32
        %mul3A_65 = arith.muli %scan3A_52, %mul3A_64 : i32
        %swap3A = arith.index_cast %mul3A_65 : i32 to index
        %swap3A_66 = tpu.vector_load %arg7[%swap3A] {strides = array<i32>} : memref<80xi32, #tpu.memory_space<vmem>>, vector<16xi32>,
        %swap3A_67 = vector.shape_cast %swap3A_66 : vector<16xi32> to vector<16xi32>
        %swap3A_68 = vector.shape_cast %select_n3A : vector<16xi32> to vector<16xi32>
        tpu.vector_store %arg7[%swap3A], %swap3A_68 {strides = array<i32>} : memref<80xi32, #tpu.memory_space<vmem>>, vector<16xi32>,
        %scan3A_69 = arith.constant 0 : i32
        scf.yield %scan3A_69 : i32
      }
      %scan3A_48 = arith.constant 5 : i32
      %dma_wait3A = arith.constant 0 : i32
      %dma_wait3A_49 = arith.constant 0 : i32
      %dma_wait3A_50 = tpu.memref_slice %arg2[%dma_wait3A, %dma_wait3A_49] : memref<10000x128xf32, #tpu.memory_space<hbm>> -> memref<10000x128xf32, #tpu.memory_space<hbm>>
      tpu.wait_indirect_dma semaphore(%arg11 : memref<!tpu.dma_semaphore, #tpu.memory_space<semaphore_mem>>) src(%dma_wait3A_50 : memref<10000x128xf32, #tpu.memory_space<hbm>>) dst(%arg8 : memref<80x128xf32, #tpu.memory_space<vmem>>)
      "tpu.region"() ({
        %run_scoped3A = tpu.sem_alloc : memref<!tpu.dma_semaphore, #tpu.memory_space<semaphore_mem>>
        %dma_start3A_52 = arith.constant 0 : i32
        %dma_start3A_53 = arith.constant 0 : i32
        %dma_start3A_54 = tpu.memref_slice %arg10[%dma_start3A_52, %dma_start3A_53] : memref<5008x128xf32, #tpu.memory_space<vmem_shared>> -> memref<5008x128xf32, #tpu.memory_space<vmem_shared>>
        tpu.enqueue_indirect_dma source(%arg8 : memref<80x128xf32, #tpu.memory_space<vmem>>) target(%dma_start3A_54 : memref<5008x128xf32, #tpu.memory_space<vmem_shared>>) offsets(%arg7 : memref<80xi32, #tpu.memory_space<vmem>>) semaphore(%run_scoped3A : memref<!tpu.dma_semaphore, #tpu.memory_space<semaphore_mem>>) {add = true}
        %dma_wait3A_55 = arith.constant 0 : i32
        %dma_wait3A_56 = arith.constant 0 : i32
        %dma_wait3A_57 = tpu.memref_slice %arg10[%dma_wait3A_55, %dma_wait3A_56] : memref<5008x128xf32, #tpu.memory_space<vmem_shared>> -> memref<5008x128xf32, #tpu.memory_space<vmem_shared>>
        tpu.wait_indirect_dma semaphore(%run_scoped3A : memref<!tpu.dma_semaphore, #tpu.memory_space<semaphore_mem>>) src(%arg8 : memref<80x128xf32, #tpu.memory_space<vmem>>) dst(%dma_wait3A_57 : memref<5008x128xf32, #tpu.memory_space<vmem_shared>>)
        tpu.yield
      }) : () -> ()
      %scan3A_51 = arith.constant 0 : i32
      scf.yield %scan3A_51 : i32
    }
    %scan3A_21 = arith.constant 250 : i32
    %barrier3A_22 = arith.constant 0 : index
    tpu.barrier barrier_id(%barrier3A_22)
    %lt3A_23 = arith.constant 15 : i32
    %lt3A_24 = arith.cmpi slt, %arg1, %lt3A_23 : i32
    %convert_element_type3A_25 = arith.extui %lt3A_24 : i1 to i32
    %cond3A_26 = arith.constant 0 : i32
    %cond3A_27 = arith.cmpi ne, %convert_element_type3A_25, %cond3A_26 : i32
    scf.if %cond3A_27 {
      %mul3A_33 = arith.constant 312 : i32
      %mul3A_34 = arith.muli %arg1, %mul3A_33 : i32
      "tpu.region"() ({
        %run_scoped3A = tpu.sem_alloc : memref<!tpu.dma_semaphore, #tpu.memory_space<semaphore_mem>>
        %dma_start3A = arith.constant 0 : i32
        %dma_start3A_39 = arith.constant 0 : i32
        %dma_start3A_40 = tpu.memref_slice %arg9[%dma_start3A, %dma_start3A_39] : memref<328x128xf32, #tpu.memory_space<vmem>> -> memref<312x128xf32, #tpu.memory_space<vmem>>
        %dma_start3A_41 = arith.constant 0 : i32
        %dma_start3A_42 = tpu.memref_slice %arg10[%mul3A_34, %dma_start3A_41] : memref<5008x128xf32, #tpu.memory_space<vmem_shared>> -> memref<312x128xf32, #tpu.memory_space<vmem_shared>>
        %dma_start3A_43 = arith.constant 0 : i32
        %dma_start3A_44 = arith.constant 0 : i32
        %dma_start3A_45 = tpu.memref_slice %arg9[%dma_start3A_43, %dma_start3A_44] : memref<328x128xf32, #tpu.memory_space<vmem>> -> memref<312x128xf32, #tpu.memory_space<vmem>>
        %dma_start3A_46 = arith.constant 0 : i32
        %dma_start3A_47 = tpu.memref_slice %arg10[%mul3A_34, %dma_start3A_46] : memref<5008x128xf32, #tpu.memory_space<vmem_shared>> -> memref<312x128xf32, #tpu.memory_space<vmem_shared>>
        tpu.enqueue_dma source(%dma_start3A_47 : memref<312x128xf32, #tpu.memory_space<vmem_shared>>) target(%dma_start3A_45 : memref<312x128xf32, #tpu.memory_space<vmem>>) target_semaphore(%run_scoped3A : memref<!tpu.dma_semaphore, #tpu.memory_space<semaphore_mem>>)
        %dma_wait3A = arith.constant 0 : i32
        %dma_wait3A_48 = arith.constant 0 : i32
        %dma_wait3A_49 = tpu.memref_slice %arg9[%dma_wait3A, %dma_wait3A_48] : memref<328x128xf32, #tpu.memory_space<vmem>> -> memref<312x128xf32, #tpu.memory_space<vmem>>
        %dma_wait3A_50 = arith.constant 0 : i32
        %dma_wait3A_51 = tpu.memref_slice %arg10[%mul3A_34, %dma_wait3A_50] : memref<5008x128xf32, #tpu.memory_space<vmem_shared>> -> memref<312x128xf32, #tpu.memory_space<vmem_shared>>
        %dma_wait3A_52 = arith.constant 0 : i32
        %dma_wait3A_53 = arith.constant 0 : i32
        %dma_wait3A_54 = tpu.memref_slice %arg9[%dma_wait3A_52, %dma_wait3A_53] : memref<328x128xf32, #tpu.memory_space<vmem>> -> memref<312x128xf32, #tpu.memory_space<vmem>>
        %dma_wait3A_55 = arith.constant 0 : i32
        %dma_wait3A_56 = tpu.memref_slice %arg10[%mul3A_34, %dma_wait3A_55] : memref<5008x128xf32, #tpu.memory_space<vmem_shared>> -> memref<312x128xf32, #tpu.memory_space<vmem_shared>>
        tpu.wait_dma2 semaphore(%run_scoped3A : memref<!tpu.dma_semaphore, #tpu.memory_space<semaphore_mem>>) src(%dma_wait3A_56 : memref<312x128xf32, #tpu.memory_space<vmem_shared>>) dst(%dma_wait3A_54 : memref<312x128xf32, #tpu.memory_space<vmem>>)
        tpu.yield
      }) : () -> ()
      %mul3A_35 = arith.constant 5008 : i32
      %mul3A_36 = arith.muli %arg0, %mul3A_35 : i32
      %mul3A_37 = arith.constant 312 : i32
      %mul3A_38 = arith.muli %arg1, %mul3A_37 : i32
      %add3A = arith.addi %mul3A_36, %mul3A_38 : i32
      "tpu.region"() ({
        %run_scoped3A = tpu.sem_alloc : memref<!tpu.dma_semaphore, #tpu.memory_space<semaphore_mem>>
        %dma_start3A = arith.constant 0 : i32
        %dma_start3A_39 = arith.constant 0 : i32
        %dma_start3A_40 = tpu.memref_slice %arg9[%dma_start3A, %dma_start3A_39] : memref<328x128xf32, #tpu.memory_space<vmem>> -> memref<312x128xf32, #tpu.memory_space<vmem>>
        %dma_start3A_41 = arith.constant 0 : i32
        %dma_start3A_42 = tpu.memref_slice %arg5[%add3A, %dma_start3A_41] : memref<10016x128xf32, #tpu.memory_space<hbm>> -> memref<312x128xf32, #tpu.memory_space<hbm>>
        %dma_start3A_43 = arith.constant 0 : i32
        %dma_start3A_44 = tpu.memref_slice %arg5[%add3A, %dma_start3A_43] : memref<10016x128xf32, #tpu.memory_space<hbm>> -> memref<312x128xf32, #tpu.memory_space<hbm>>
        %dma_start3A_45 = arith.constant 0 : i32
        %dma_start3A_46 = arith.constant 0 : i32
        %dma_start3A_47 = tpu.memref_slice %arg9[%dma_start3A_45, %dma_start3A_46] : memref<328x128xf32, #tpu.memory_space<vmem>> -> memref<312x128xf32, #tpu.memory_space<vmem>>
        tpu.enqueue_dma source(%dma_start3A_47 : memref<312x128xf32, #tpu.memory_space<vmem>>) target(%dma_start3A_44 : memref<312x128xf32, #tpu.memory_space<hbm>>) target_semaphore(%run_scoped3A : memref<!tpu.dma_semaphore, #tpu.memory_space<semaphore_mem>>)
        %dma_wait3A = arith.constant 0 : i32
        %dma_wait3A_48 = arith.constant 0 : i32
        %dma_wait3A_49 = tpu.memref_slice %arg9[%dma_wait3A, %dma_wait3A_48] : memref<328x128xf32, #tpu.memory_space<vmem>> -> memref<312x128xf32, #tpu.memory_space<vmem>>
        %dma_wait3A_50 = arith.constant 0 : i32
        %dma_wait3A_51 = tpu.memref_slice %arg5[%add3A, %dma_wait3A_50] : memref<10016x128xf32, #tpu.memory_space<hbm>> -> memref<312x128xf32, #tpu.memory_space<hbm>>
        %dma_wait3A_52 = arith.constant 0 : i32
        %dma_wait3A_53 = tpu.memref_slice %arg5[%add3A, %dma_wait3A_52] : memref<10016x128xf32, #tpu.memory_space<hbm>> -> memref<312x128xf32, #tpu.memory_space<hbm>>
        %dma_wait3A_54 = arith.constant 0 : i32
        %dma_wait3A_55 = arith.constant 0 : i32
        %dma_wait3A_56 = tpu.memref_slice %arg9[%dma_wait3A_54, %dma_wait3A_55] : memref<328x128xf32, #tpu.memory_space<vmem>> -> memref<312x128xf32, #tpu.memory_space<vmem>>
        tpu.wait_dma2 semaphore(%run_scoped3A : memref<!tpu.dma_semaphore, #tpu.memory_space<semaphore_mem>>) src(%dma_wait3A_56 : memref<312x128xf32, #tpu.memory_space<vmem>>) dst(%dma_wait3A_53 : memref<312x128xf32, #tpu.memory_space<hbm>>)
        tpu.yield
      }) : () -> ()
    } else {
    }
    %eq3A_28 = arith.constant 15 : i32
    %eq3A_29 = arith.cmpi eq, %arg1, %eq3A_28 : i32
    %convert_element_type3A_30 = arith.extui %eq3A_29 : i1 to i32
    %cond3A_31 = arith.constant 0 : i32
    %cond3A_32 = arith.cmpi ne, %convert_element_type3A_30, %cond3A_31 : i32
    scf.if %cond3A_32 {
      "tpu.region"() ({
        %run_scoped3A = tpu.sem_alloc : memref<!tpu.dma_semaphore, #tpu.memory_space<semaphore_mem>>
        %dma_start3A = arith.constant 4680 : i32
        %dma_start3A_36 = arith.constant 0 : i32
        %dma_start3A_37 = tpu.memref_slice %arg10[%dma_start3A, %dma_start3A_36] : memref<5008x128xf32, #tpu.memory_space<vmem_shared>> -> memref<328x128xf32, #tpu.memory_space<vmem_shared>>
        %dma_start3A_38 = arith.constant 4680 : i32
        %dma_start3A_39 = arith.constant 0 : i32
        %dma_start3A_40 = tpu.memref_slice %arg10[%dma_start3A_38, %dma_start3A_39] : memref<5008x128xf32, #tpu.memory_space<vmem_shared>> -> memref<328x128xf32, #tpu.memory_space<vmem_shared>>
        tpu.enqueue_dma source(%dma_start3A_40 : memref<328x128xf32, #tpu.memory_space<vmem_shared>>) target(%arg9 : memref<328x128xf32, #tpu.memory_space<vmem>>) target_semaphore(%run_scoped3A : memref<!tpu.dma_semaphore, #tpu.memory_space<semaphore_mem>>)
        %dma_wait3A = arith.constant 4680 : i32
        %dma_wait3A_41 = arith.constant 0 : i32
        %dma_wait3A_42 = tpu.memref_slice %arg10[%dma_wait3A, %dma_wait3A_41] : memref<5008x128xf32, #tpu.memory_space<vmem_shared>> -> memref<328x128xf32, #tpu.memory_space<vmem_shared>>
        %dma_wait3A_43 = arith.constant 4680 : i32
        %dma_wait3A_44 = arith.constant 0 : i32
        %dma_wait3A_45 = tpu.memref_slice %arg10[%dma_wait3A_43, %dma_wait3A_44] : memref<5008x128xf32, #tpu.memory_space<vmem_shared>> -> memref<328x128xf32, #tpu.memory_space<vmem_shared>>
        tpu.wait_dma2 semaphore(%run_scoped3A : memref<!tpu.dma_semaphore, #tpu.memory_space<semaphore_mem>>) src(%dma_wait3A_45 : memref<328x128xf32, #tpu.memory_space<vmem_shared>>) dst(%arg9 : memref<328x128xf32, #tpu.memory_space<vmem>>)
        tpu.yield
      }) : () -> ()
      %mul3A_33 = arith.constant 5008 : i32
      %mul3A_34 = arith.muli %arg0, %mul3A_33 : i32
      %add3A = arith.constant 4680 : i32
      %add3A_35 = arith.addi %mul3A_34, %add3A : i32
      "tpu.region"() ({
        %run_scoped3A = tpu.sem_alloc : memref<!tpu.dma_semaphore, #tpu.memory_space<semaphore_mem>>
        %dma_start3A = arith.constant 0 : i32
        %dma_start3A_36 = tpu.memref_slice %arg5[%add3A_35, %dma_start3A] : memref<10016x128xf32, #tpu.memory_space<hbm>> -> memref<328x128xf32, #tpu.memory_space<hbm>>
        %dma_start3A_37 = arith.constant 0 : i32
        %dma_start3A_38 = tpu.memref_slice %arg5[%add3A_35, %dma_start3A_37] : memref<10016x128xf32, #tpu.memory_space<hbm>> -> memref<328x128xf32, #tpu.memory_space<hbm>>
        tpu.enqueue_dma source(%arg9 : memref<328x128xf32, #tpu.memory_space<vmem>>) target(%dma_start3A_38 : memref<328x128xf32, #tpu.memory_space<hbm>>) target_semaphore(%run_scoped3A : memref<!tpu.dma_semaphore, #tpu.memory_space<semaphore_mem>>)
        %dma_wait3A = arith.constant 0 : i32
        %dma_wait3A_39 = tpu.memref_slice %arg5[%add3A_35, %dma_wait3A] : memref<10016x128xf32, #tpu.memory_space<hbm>> -> memref<328x128xf32, #tpu.memory_space<hbm>>
        %dma_wait3A_40 = arith.constant 0 : i32
        %dma_wait3A_41 = tpu.memref_slice %arg5[%add3A_35, %dma_wait3A_40] : memref<10016x128xf32, #tpu.memory_space<hbm>> -> memref<328x128xf32, #tpu.memory_space<hbm>>
        tpu.wait_dma2 semaphore(%run_scoped3A : memref<!tpu.dma_semaphore, #tpu.memory_space<semaphore_mem>>) src(%arg9 : memref<328x128xf32, #tpu.memory_space<vmem>>) dst(%dma_wait3A_41 : memref<328x128xf32, #tpu.memory_space<hbm>>)
        tpu.yield
      }) : () -> ()
    } else {
    }
    return
  }
}

#map = affine_map<(d0, d1) -> (0)>
module attributes {stable_mosaic.version = 14 : i64} {
  func.func @_deg_kernel(%arg0: i32, %arg1: i32, %arg2: memref<320000xi32, #tpu.memory_space<hbm>>, %arg3: memref<20480xf32, #tpu.memory_space<hbm>>, %arg4: memref<80xi32, #tpu.memory_space<vmem>>, %arg5: memref<80xf32, #tpu.memory_space<vmem>>, %arg6: memref<640xf32, #tpu.memory_space<vmem>>, %arg7: memref<10240xf32, #tpu.memory_space<vmem_shared>>) attributes {dimension_semantics = [#tpu.dimension_semantics<core_parallel>, #tpu.dimension_semantics<subcore_parallel>], iteration_bounds = array<i64: 2, 16>, scalar_prefetch = 0 : i64, scratch_operands = 4 : i64, tpu.core_type = #tpu.core_type<sc_vector_subcore>, window_params = [{transform_indices = #map}, {transform_indices = #map}]} {
    %mul3A = arith.constant 2 : i32
    %mul3A_0 = arith.muli %arg1, %mul3A : i32
    %add3A = arith.addi %mul3A_0, %arg0 : i32
    %scan3A = arith.constant 0 : i32
    %scan3A_1 = arith.constant 0 : i32
    %scan3A_2 = arith.constant 40 : i32
    %scan3A_3 = arith.addi %scan3A_1, %scan3A_2 : i32
    %scan3A_4 = arith.constant 1 : i32
    %scan3A_5 = scf.for %scan3A_54 = %scan3A_1 to %scan3A_3 step %scan3A_4 iter_args(%scan3A_55 = %scan3A) -> (i32)  : i32 {
      %broadcast_in_dim3A_56 = arith.constant 0.000000e+00 : f32
      %broadcast_in_dim3A_57 = vector.broadcast %broadcast_in_dim3A_56 : f32 to vector<16xf32>
      %mul3A_58 = arith.constant 16 : i32
      %mul3A_59 = arith.muli %scan3A_54, %mul3A_58 : i32
      %swap3A_60 = arith.index_cast %mul3A_59 : i32 to index
      %swap3A_61 = tpu.vector_load %arg6[%swap3A_60] {strides = array<i32>} : memref<640xf32, #tpu.memory_space<vmem>>, vector<16xf32>,
      %swap3A_62 = vector.shape_cast %swap3A_61 : vector<16xf32> to vector<16xf32>
      %swap3A_63 = vector.shape_cast %broadcast_in_dim3A_57 : vector<16xf32> to vector<16xf32>
      tpu.vector_store %arg6[%swap3A_60], %swap3A_63 {strides = array<i32>} : memref<640xf32, #tpu.memory_space<vmem>>, vector<16xf32>,
      %scan3A_64 = arith.constant 0 : i32
      scf.yield %scan3A_64 : i32
    }
    %scan3A_6 = arith.constant 40 : i32
    %broadcast_in_dim3A = arith.constant 1.000000e+00 : f32
    %broadcast_in_dim3A_7 = vector.broadcast %broadcast_in_dim3A : f32 to vector<16xf32>
    %swap3A = arith.constant 0 : index
    %swap3A_8 = tpu.vector_load %arg5[%swap3A] {strides = array<i32>} : memref<80xf32, #tpu.memory_space<vmem>>, vector<16xf32>,
    %swap3A_9 = vector.shape_cast %swap3A_8 : vector<16xf32> to vector<16xf32>
    %swap3A_10 = vector.shape_cast %broadcast_in_dim3A_7 : vector<16xf32> to vector<16xf32>
    tpu.vector_store %arg5[%swap3A], %swap3A_10 {strides = array<i32>} : memref<80xf32, #tpu.memory_space<vmem>>, vector<16xf32>,
    %broadcast_in_dim3A_11 = arith.constant 1.000000e+00 : f32
    %broadcast_in_dim3A_12 = vector.broadcast %broadcast_in_dim3A_11 : f32 to vector<16xf32>
    %swap3A_13 = arith.constant 16 : index
    %swap3A_14 = tpu.vector_load %arg5[%swap3A_13] {strides = array<i32>} : memref<80xf32, #tpu.memory_space<vmem>>, vector<16xf32>,
    %swap3A_15 = vector.shape_cast %swap3A_14 : vector<16xf32> to vector<16xf32>
    %swap3A_16 = vector.shape_cast %broadcast_in_dim3A_12 : vector<16xf32> to vector<16xf32>
    tpu.vector_store %arg5[%swap3A_13], %swap3A_16 {strides = array<i32>} : memref<80xf32, #tpu.memory_space<vmem>>, vector<16xf32>,
    %broadcast_in_dim3A_17 = arith.constant 1.000000e+00 : f32
    %broadcast_in_dim3A_18 = vector.broadcast %broadcast_in_dim3A_17 : f32 to vector<16xf32>
    %swap3A_19 = arith.constant 32 : index
    %swap3A_20 = tpu.vector_load %arg5[%swap3A_19] {strides = array<i32>} : memref<80xf32, #tpu.memory_space<vmem>>, vector<16xf32>,
    %swap3A_21 = vector.shape_cast %swap3A_20 : vector<16xf32> to vector<16xf32>
    %swap3A_22 = vector.shape_cast %broadcast_in_dim3A_18 : vector<16xf32> to vector<16xf32>
    tpu.vector_store %arg5[%swap3A_19], %swap3A_22 {strides = array<i32>} : memref<80xf32, #tpu.memory_space<vmem>>, vector<16xf32>,
    %broadcast_in_dim3A_23 = arith.constant 1.000000e+00 : f32
    %broadcast_in_dim3A_24 = vector.broadcast %broadcast_in_dim3A_23 : f32 to vector<16xf32>
    %swap3A_25 = arith.constant 48 : index
    %swap3A_26 = tpu.vector_load %arg5[%swap3A_25] {strides = array<i32>} : memref<80xf32, #tpu.memory_space<vmem>>, vector<16xf32>,
    %swap3A_27 = vector.shape_cast %swap3A_26 : vector<16xf32> to vector<16xf32>
    %swap3A_28 = vector.shape_cast %broadcast_in_dim3A_24 : vector<16xf32> to vector<16xf32>
    tpu.vector_store %arg5[%swap3A_25], %swap3A_28 {strides = array<i32>} : memref<80xf32, #tpu.memory_space<vmem>>, vector<16xf32>,
    %broadcast_in_dim3A_29 = arith.constant 1.000000e+00 : f32
    %broadcast_in_dim3A_30 = vector.broadcast %broadcast_in_dim3A_29 : f32 to vector<16xf32>
    %swap3A_31 = arith.constant 64 : index
    %swap3A_32 = tpu.vector_load %arg5[%swap3A_31] {strides = array<i32>} : memref<80xf32, #tpu.memory_space<vmem>>, vector<16xf32>,
    %swap3A_33 = vector.shape_cast %swap3A_32 : vector<16xf32> to vector<16xf32>
    %swap3A_34 = vector.shape_cast %broadcast_in_dim3A_30 : vector<16xf32> to vector<16xf32>
    tpu.vector_store %arg5[%swap3A_31], %swap3A_34 {strides = array<i32>} : memref<80xf32, #tpu.memory_space<vmem>>, vector<16xf32>,
    %mul3A_35 = arith.constant 640 : i32
    %mul3A_36 = arith.muli %arg1, %mul3A_35 : i32
    "tpu.region"() ({
      %run_scoped3A = tpu.sem_alloc : memref<!tpu.dma_semaphore, #tpu.memory_space<semaphore_mem>>
      %dma_start3A = tpu.memref_slice %arg7[%mul3A_36] : memref<10240xf32, #tpu.memory_space<vmem_shared>> -> memref<640xf32, #tpu.memory_space<vmem_shared>>
      %dma_start3A_54 = tpu.memref_slice %arg7[%mul3A_36] : memref<10240xf32, #tpu.memory_space<vmem_shared>> -> memref<640xf32, #tpu.memory_space<vmem_shared>>
      tpu.enqueue_dma source(%arg6 : memref<640xf32, #tpu.memory_space<vmem>>) target(%dma_start3A_54 : memref<640xf32, #tpu.memory_space<vmem_shared>>) target_semaphore(%run_scoped3A : memref<!tpu.dma_semaphore, #tpu.memory_space<semaphore_mem>>)
      %dma_wait3A = tpu.memref_slice %arg7[%mul3A_36] : memref<10240xf32, #tpu.memory_space<vmem_shared>> -> memref<640xf32, #tpu.memory_space<vmem_shared>>
      %dma_wait3A_55 = tpu.memref_slice %arg7[%mul3A_36] : memref<10240xf32, #tpu.memory_space<vmem_shared>> -> memref<640xf32, #tpu.memory_space<vmem_shared>>
      tpu.wait_dma2 semaphore(%run_scoped3A : memref<!tpu.dma_semaphore, #tpu.memory_space<semaphore_mem>>) src(%arg6 : memref<640xf32, #tpu.memory_space<vmem>>) dst(%dma_wait3A_55 : memref<640xf32, #tpu.memory_space<vmem_shared>>)
      tpu.yield
    }) : () -> ()
    %barrier3A = arith.constant 0 : index
    tpu.barrier barrier_id(%barrier3A)
    %mul3A_37 = arith.constant 10000 : i32
    %mul3A_38 = arith.muli %add3A, %mul3A_37 : i32
    %scan3A_39 = arith.constant 0 : i32
    %scan3A_40 = arith.constant 0 : i32
    %scan3A_41 = arith.constant 125 : i32
    %scan3A_42 = arith.addi %scan3A_40, %scan3A_41 : i32
    %scan3A_43 = arith.constant 1 : i32
    %scan3A_44 = scf.for %scan3A_54 = %scan3A_40 to %scan3A_42 step %scan3A_43 iter_args(%scan3A_55 = %scan3A_39) -> (i32)  : i32 {
      %mul3A_56 = arith.constant 80 : i32
      %mul3A_57 = arith.muli %scan3A_54, %mul3A_56 : i32
      %add3A_58 = arith.addi %mul3A_38, %mul3A_57 : i32
      "tpu.region"() ({
        %run_scoped3A = tpu.sem_alloc : memref<!tpu.dma_semaphore, #tpu.memory_space<semaphore_mem>>
        %dma_start3A = tpu.memref_slice %arg2[%add3A_58] : memref<320000xi32, #tpu.memory_space<hbm>> -> memref<80xi32, #tpu.memory_space<hbm>>
        %dma_start3A_60 = tpu.memref_slice %arg2[%add3A_58] : memref<320000xi32, #tpu.memory_space<hbm>> -> memref<80xi32, #tpu.memory_space<hbm>>
        tpu.enqueue_dma source(%dma_start3A_60 : memref<80xi32, #tpu.memory_space<hbm>>) target(%arg4 : memref<80xi32, #tpu.memory_space<vmem>>) target_semaphore(%run_scoped3A : memref<!tpu.dma_semaphore, #tpu.memory_space<semaphore_mem>>)
        %dma_wait3A = tpu.memref_slice %arg2[%add3A_58] : memref<320000xi32, #tpu.memory_space<hbm>> -> memref<80xi32, #tpu.memory_space<hbm>>
        %dma_wait3A_61 = tpu.memref_slice %arg2[%add3A_58] : memref<320000xi32, #tpu.memory_space<hbm>> -> memref<80xi32, #tpu.memory_space<hbm>>
        tpu.wait_dma2 semaphore(%run_scoped3A : memref<!tpu.dma_semaphore, #tpu.memory_space<semaphore_mem>>) src(%dma_wait3A_61 : memref<80xi32, #tpu.memory_space<hbm>>) dst(%arg4 : memref<80xi32, #tpu.memory_space<vmem>>)
        tpu.yield
      }) : () -> ()
      "tpu.region"() ({
        %run_scoped3A = tpu.sem_alloc : memref<!tpu.dma_semaphore, #tpu.memory_space<semaphore_mem>>
        %dma_start3A = arith.constant 0 : i32
        %dma_start3A_60 = tpu.memref_slice %arg7[%dma_start3A] : memref<10240xf32, #tpu.memory_space<vmem_shared>> -> memref<10240xf32, #tpu.memory_space<vmem_shared>>
        tpu.enqueue_indirect_dma source(%arg5 : memref<80xf32, #tpu.memory_space<vmem>>) target(%dma_start3A_60 : memref<10240xf32, #tpu.memory_space<vmem_shared>>) offsets(%arg4 : memref<80xi32, #tpu.memory_space<vmem>>) semaphore(%run_scoped3A : memref<!tpu.dma_semaphore, #tpu.memory_space<semaphore_mem>>) {add = true}
        %dma_wait3A = arith.constant 0 : i32
        %dma_wait3A_61 = tpu.memref_slice %arg7[%dma_wait3A] : memref<10240xf32, #tpu.memory_space<vmem_shared>> -> memref<10240xf32, #tpu.memory_space<vmem_shared>>
        tpu.wait_indirect_dma semaphore(%run_scoped3A : memref<!tpu.dma_semaphore, #tpu.memory_space<semaphore_mem>>) src(%arg5 : memref<80xf32, #tpu.memory_space<vmem>>) dst(%dma_wait3A_61 : memref<10240xf32, #tpu.memory_space<vmem_shared>>)
        tpu.yield
      }) : () -> ()
      %scan3A_59 = arith.constant 0 : i32
      scf.yield %scan3A_59 : i32
    }
    %scan3A_45 = arith.constant 125 : i32
    %barrier3A_46 = arith.constant 0 : index
    tpu.barrier barrier_id(%barrier3A_46)
    %mul3A_47 = arith.constant 640 : i32
    %mul3A_48 = arith.muli %arg1, %mul3A_47 : i32
    "tpu.region"() ({
      %run_scoped3A = tpu.sem_alloc : memref<!tpu.dma_semaphore, #tpu.memory_space<semaphore_mem>>
      %dma_start3A = tpu.memref_slice %arg7[%mul3A_48] : memref<10240xf32, #tpu.memory_space<vmem_shared>> -> memref<640xf32, #tpu.memory_space<vmem_shared>>
      %dma_start3A_54 = tpu.memref_slice %arg7[%mul3A_48] : memref<10240xf32, #tpu.memory_space<vmem_shared>> -> memref<640xf32, #tpu.memory_space<vmem_shared>>
      tpu.enqueue_dma source(%dma_start3A_54 : memref<640xf32, #tpu.memory_space<vmem_shared>>) target(%arg6 : memref<640xf32, #tpu.memory_space<vmem>>) target_semaphore(%run_scoped3A : memref<!tpu.dma_semaphore, #tpu.memory_space<semaphore_mem>>)
      %dma_wait3A = tpu.memref_slice %arg7[%mul3A_48] : memref<10240xf32, #tpu.memory_space<vmem_shared>> -> memref<640xf32, #tpu.memory_space<vmem_shared>>
      %dma_wait3A_55 = tpu.memref_slice %arg7[%mul3A_48] : memref<10240xf32, #tpu.memory_space<vmem_shared>> -> memref<640xf32, #tpu.memory_space<vmem_shared>>
      tpu.wait_dma2 semaphore(%run_scoped3A : memref<!tpu.dma_semaphore, #tpu.memory_space<semaphore_mem>>) src(%dma_wait3A_55 : memref<640xf32, #tpu.memory_space<vmem_shared>>) dst(%arg6 : memref<640xf32, #tpu.memory_space<vmem>>)
      tpu.yield
    }) : () -> ()
    %mul3A_49 = arith.constant 10240 : i32
    %mul3A_50 = arith.muli %arg0, %mul3A_49 : i32
    %mul3A_51 = arith.constant 640 : i32
    %mul3A_52 = arith.muli %arg1, %mul3A_51 : i32
    %add3A_53 = arith.addi %mul3A_50, %mul3A_52 : i32
    "tpu.region"() ({
      %run_scoped3A = tpu.sem_alloc : memref<!tpu.dma_semaphore, #tpu.memory_space<semaphore_mem>>
      %dma_start3A = tpu.memref_slice %arg3[%add3A_53] : memref<20480xf32, #tpu.memory_space<hbm>> -> memref<640xf32, #tpu.memory_space<hbm>>
      %dma_start3A_54 = tpu.memref_slice %arg3[%add3A_53] : memref<20480xf32, #tpu.memory_space<hbm>> -> memref<640xf32, #tpu.memory_space<hbm>>
      tpu.enqueue_dma source(%arg6 : memref<640xf32, #tpu.memory_space<vmem>>) target(%dma_start3A_54 : memref<640xf32, #tpu.memory_space<hbm>>) target_semaphore(%run_scoped3A : memref<!tpu.dma_semaphore, #tpu.memory_space<semaphore_mem>>)
      %dma_wait3A = tpu.memref_slice %arg3[%add3A_53] : memref<20480xf32, #tpu.memory_space<hbm>> -> memref<640xf32, #tpu.memory_space<hbm>>
      %dma_wait3A_55 = tpu.memref_slice %arg3[%add3A_53] : memref<20480xf32, #tpu.memory_space<hbm>> -> memref<640xf32, #tpu.memory_space<hbm>>
      tpu.wait_dma2 semaphore(%run_scoped3A : memref<!tpu.dma_semaphore, #tpu.memory_space<semaphore_mem>>) src(%arg6 : memref<640xf32, #tpu.memory_space<vmem>>) dst(%dma_wait3A_55 : memref<640xf32, #tpu.memory_space<hbm>>)
      tpu.yield
    }) : () -> ()
    return
  }
}

module attributes {stable_mosaic.version = 14 : i64} {
  func.func @_t_first_body(%arg0: memref<10000x128xf32, #tpu.memory_space<vmem>>, %arg1: memref<128x128xf32, #tpu.memory_space<vmem>>, %arg2: memref<10000x1xf32, #tpu.memory_space<vmem>>, %arg3: memref<10000x128xf32, #tpu.memory_space<vmem>>) attributes {dimension_semantics = [], scalar_prefetch = 0 : i64, scratch_operands = 0 : i64, tpu.core_type = #tpu.core_type<tc>} {
    %get3A = arith.constant 0 : index
    %get3A_0 = arith.constant 0 : index
    %get3A_1 = vector.load %arg0[%get3A, %get3A_0] : memref<10000x128xf32, #tpu.memory_space<vmem>>, vector<10000x128xf32>
    %get3A_2 = arith.constant 0 : index
    %get3A_3 = arith.constant 0 : index
    %get3A_4 = vector.load %arg1[%get3A_2, %get3A_3] : memref<128x128xf32, #tpu.memory_space<vmem>>, vector<128x128xf32>
    %dot_general3A = arith.constant dense<0.000000e+00> : vector<10000x128xf32>
    %dot_general3A_5 = tpu.matmul %get3A_1, %get3A_4, %dot_general3A {dimension_numbers = #tpu.dot_dimension_numbers<[1], [0], [0], [1], [0, 0, 1, 1], [], []>, transpose_lhs_hint = false} : vector<10000x128xf32>, vector<128x128xf32>, vector<10000x128xf32> -> vector<10000x128xf32>
    %get3A_6 = arith.constant 0 : index
    %get3A_7 = arith.constant 0 : index
    %get3A_8 = vector.load %arg2[%get3A_6, %get3A_7] : memref<10000x1xf32, #tpu.memory_space<vmem>>, vector<10000x1xf32>
    %mul3A = vector.broadcast %get3A_8 : vector<10000x1xf32> to vector<10000x128xf32>
    %mul3A_9 = arith.mulf %dot_general3A_5, %mul3A : vector<10000x128xf32>
    %swap3A = arith.constant 0 : index
    %swap3A_10 = arith.constant 0 : index
    %swap3A_11 = vector.load %arg3[%swap3A, %swap3A_10] : memref<10000x128xf32, #tpu.memory_space<vmem>>, vector<10000x128xf32>
    tpu.vector_store %arg3[%swap3A, %swap3A_10], %mul3A_9 {strides = array<i32>} : memref<10000x128xf32, #tpu.memory_space<vmem>>, vector<10000x128xf32>,
    return
  }
}

module attributes {stable_mosaic.version = 14 : i64} {
  func.func @_t_layer_body(%arg0: memref<10016x128xf32, #tpu.memory_space<vmem>>, %arg1: memref<10000x128xf32, #tpu.memory_space<vmem>>, %arg2: memref<10000x1xf32, #tpu.memory_space<vmem>>, %arg3: memref<1x128xf32, #tpu.memory_space<vmem>>, %arg4: memref<1x128xf32, #tpu.memory_space<vmem>>, %arg5: memref<1x128xf32, #tpu.memory_space<vmem>>, %arg6: memref<128x128xf32, #tpu.memory_space<vmem>>, %arg7: memref<10000x128xf32, #tpu.memory_space<vmem>>, %arg8: memref<10000x128xf32, #tpu.memory_space<vmem>>) attributes {dimension_semantics = [], scalar_prefetch = 0 : i64, scratch_operands = 0 : i64, tpu.core_type = #tpu.core_type<tc>} {
    %get3A = arith.constant 0 : index
    %get3A_0 = arith.constant 0 : index
    %get3A_1 = vector.load %arg0[%get3A, %get3A_0] : memref<10016x128xf32, #tpu.memory_space<vmem>>, vector<5000x128xf32>
    %get3A_2 = arith.constant 5008 : index
    %get3A_3 = arith.constant 0 : index
    %get3A_4 = vector.load %arg0[%get3A_2, %get3A_3] : memref<10016x128xf32, #tpu.memory_space<vmem>>, vector<5000x128xf32>
    %concatenate3A = tpu.concatenate %get3A_1, %get3A_4 in 0 : vector<5000x128xf32>, vector<5000x128xf32> -> vector<10000x128xf32>
    %get3A_5 = arith.constant 0 : index
    %get3A_6 = arith.constant 0 : index
    %get3A_7 = vector.load %arg1[%get3A_5, %get3A_6] : memref<10000x128xf32, #tpu.memory_space<vmem>>, vector<10000x128xf32>
    %add3A = arith.addf %concatenate3A, %get3A_7 : vector<10000x128xf32>
    %get3A_8 = arith.constant 0 : index
    %get3A_9 = arith.constant 0 : index
    %get3A_10 = vector.load %arg2[%get3A_8, %get3A_9] : memref<10000x1xf32, #tpu.memory_space<vmem>>, vector<10000x1xf32>
    %mul3A = vector.broadcast %get3A_10 : vector<10000x1xf32> to vector<10000x128xf32>
    %mul3A_11 = arith.mulf %add3A, %mul3A : vector<10000x128xf32>
    %get3A_12 = arith.constant 0 : index
    %get3A_13 = arith.constant 0 : index
    %get3A_14 = vector.load %arg3[%get3A_12, %get3A_13] : memref<1x128xf32, #tpu.memory_space<vmem>>, vector<1x128xf32>
    %add3A_15 = vector.broadcast %get3A_14 : vector<1x128xf32> to vector<10000x128xf32>
    %add3A_16 = arith.addf %mul3A_11, %add3A_15 : vector<10000x128xf32>
    %swap3A = arith.constant 0 : index
    %swap3A_17 = arith.constant 0 : index
    %swap3A_18 = vector.load %arg7[%swap3A, %swap3A_17] : memref<10000x128xf32, #tpu.memory_space<vmem>>, vector<10000x128xf32>
    tpu.vector_store %arg7[%swap3A, %swap3A_17], %add3A_16 {strides = array<i32>} : memref<10000x128xf32, #tpu.memory_space<vmem>>, vector<10000x128xf32>,
    %get3A_19 = arith.constant 0 : index
    %get3A_20 = arith.constant 0 : index
    %get3A_21 = vector.load %arg4[%get3A_19, %get3A_20] : memref<1x128xf32, #tpu.memory_space<vmem>>, vector<1x128xf32>
    %mul3A_22 = vector.broadcast %get3A_21 : vector<1x128xf32> to vector<10000x128xf32>
    %mul3A_23 = arith.mulf %add3A_16, %mul3A_22 : vector<10000x128xf32>
    %get3A_24 = arith.constant 0 : index
    %get3A_25 = arith.constant 0 : index
    %get3A_26 = vector.load %arg5[%get3A_24, %get3A_25] : memref<1x128xf32, #tpu.memory_space<vmem>>, vector<1x128xf32>
    %add3A_27 = vector.broadcast %get3A_26 : vector<1x128xf32> to vector<10000x128xf32>
    %add3A_28 = arith.addf %mul3A_23, %add3A_27 : vector<10000x128xf32>
    %max3A = arith.constant 0.000000e+00 : f32
    %max3A_29 = vector.broadcast %max3A : f32 to vector<10000x128xf32>
    %max3A_30 = arith.maximumf %add3A_28, %max3A_29 : vector<10000x128xf32>
    %get3A_31 = arith.constant 0 : index
    %get3A_32 = arith.constant 0 : index
    %get3A_33 = vector.load %arg6[%get3A_31, %get3A_32] : memref<128x128xf32, #tpu.memory_space<vmem>>, vector<128x128xf32>
    %dot_general3A = arith.constant dense<0.000000e+00> : vector<10000x128xf32>
    %dot_general3A_34 = tpu.matmul %max3A_30, %get3A_33, %dot_general3A {dimension_numbers = #tpu.dot_dimension_numbers<[1], [0], [0], [1], [0, 0, 1, 1], [], []>, transpose_lhs_hint = false} : vector<10000x128xf32>, vector<128x128xf32>, vector<10000x128xf32> -> vector<10000x128xf32>
    %get3A_35 = arith.constant 0 : index
    %get3A_36 = arith.constant 0 : index
    %get3A_37 = vector.load %arg2[%get3A_35, %get3A_36] : memref<10000x1xf32, #tpu.memory_space<vmem>>, vector<10000x1xf32>
    %mul3A_38 = vector.broadcast %get3A_37 : vector<10000x1xf32> to vector<10000x128xf32>
    %mul3A_39 = arith.mulf %dot_general3A_34, %mul3A_38 : vector<10000x128xf32>
    %swap3A_40 = arith.constant 0 : index
    %swap3A_41 = arith.constant 0 : index
    %swap3A_42 = vector.load %arg8[%swap3A_40, %swap3A_41] : memref<10000x128xf32, #tpu.memory_space<vmem>>, vector<10000x128xf32>
    tpu.vector_store %arg8[%swap3A_40, %swap3A_41], %mul3A_39 {strides = array<i32>} : memref<10000x128xf32, #tpu.memory_space<vmem>>, vector<10000x128xf32>,
    return
  }
}

</mosaic_0001>

<sc_bundles>
// kernel: closed_call.12.cloned.1.call-start
scs
__scs_entry_jumppad:
0x0: {  	(pc) =	sbr.rel $0x88, $3  }
0x1: {  	(tag) =	ssettag $0x0;
	lr =	simm.s32 $0x1  }
0x2: {  	[smem:$0x3F94] =	sst lr;
	_ =	strace $0xD0000000  }
0x3: {  	_ = 	snop  }
0x4: {  	_ = 	snop  }
0x5: {  	_ = 	snop  }
0x6: {  	_ = 	snop  }
0x7: {  	_ = 	snop  }
__scs_overlays_trampoline_lowered:
0x8: {  	[smem:$0x3FA3] =	sst s0  }
0x9: {  	[smem:$0x3FA4] =	sst s1  }
0xa: {  	[smem:$0x3FA5] =	sst s2  }
0xb: {  	[smem:$0x3FA6] =	sst s3  }
0xc: {  	[smem:$0x3FA7] =	sst s4  }
0xd: {  	[smem:$0x3FA8] =	sst s5  }
0xe: {  	[smem:$0x3FA9] =	sst s6  }
0xf: {  	[smem:$0x3FAA] =	sst s7  }
0x10: {  	[smem:$0x3FAB] =	sst s8  }
0x11: {  	[smem:$0x3FAC] =	sst s9;
	s0 =	simm.s32 @!p0 $0x0  }
0x12: {  	s1 =	sld [smem:$0x3F92];
	s0 =	simm.s32 @p0 $0x1  }
0x13: {  	[smem:$0x3FAD] =	sst s0;
	s0 =	simm.s32 @!p1 $0x0  }
0x14: {  	s2 =	sld [smem:$0x3F91];
	s0 =	simm.s32 @p1 $0x1  }
0x15: {  	[smem:$0x3FAE] =	sst s0;
	s0 =	simm.s32 @!p2 $0x0  }
0x16: {  	s3 =	sld [smem:$0x3FDB];
	s0 =	simm.s32 @p2 $0x1  }
0x17: {  	s4 =	simm.s32 $0x1BF5;
	[smem:$0x3FB0] =	sst s0  }
0x18: {  	s0 =	sld [smem:$0x3F93];
	_ =	swait.ge [sflag:s4], $0x0  }
0x19: {  	s7 =	sld [smem:$0x3F94]  }
0x1a: {  	s8 =	sadd.s32 $0xFFFFE003, lr  }
0x1b: {  	s9 =	sadd.s32 $0xFFFFFEF7, lr;
	s5 =	simm.s32 $0xFFFFFFFF;
	p2 =	slt.u32 s8, $0xFFFFF086  }
0x1c: {  	p1 =	slt.u32 s9, $0xF7A;
	s5 =	simm.s32 @!p2 $0x0  }
0x1d: {  	s5 =	simm.s32 @p1 $0x1;
	p0 =	seq.s32 s7, s2  }
0x1e: {  	s7 =	smul.u32 @!p0 $0xF7A, s2;
	p2 =	seq.s32 @!p0 s5, $0x0  }
0x1f: {  	s9 =	smul.u32 $0xF7A, s1;
	s8 =	simm.s32 @!p0 $0x1BF5;
	p2 =	por !p2, p0  }
0x20: {  	[sflag:s8] =	ssyncset.s32 @!p0 $0xFFFFF086;
	s6 =	sadd.s32 @!p0 s3, s7;
	s7 =	simm.s32 @!p0 $0x108  }
0x21: {  	s3 =	sadd.s32 s3, s9;
	s6 =	sadd.s32 @!p0 $0x88, s6;
	s7 =	simm.s32 @p2 $0x1082  }
0x22: {  	[simem:s7], [sflag:s8] =	dma.local @!p0 [hbm:s6], $0xF7A  }
0x23: {  	s9 =	sor.u32 $0xD0000000, s2;
	s6 =	simm.s32 $0x108;
	_ =	swait.ge @!p0 [sflag:s8], $0x0  }
0x24: {  	s3 =	sadd.s32 $0x88, s3;
	s6 =	simm.s32 @!p1 $0x1082;
	[sflag:s4] =	ssyncset.s32 $0xFFFFF086  }
0x25: {  	[simem:s6], [sflag:s4] =	dma.local [hbm:s3], $0xF7A  }
0x26: {  	[smem:$0x3F94] =	sst s1;
	(tag) =	ssettag s2;
	_ =	strace s9  }
0x27: {  	s1 =	sld [smem:$0x3FA4]  }
0x28: {  	s2 =	sld [smem:$0x3FA5]  }
0x29: {  	s4 =	sld [smem:$0x3FA7]  }
0x2a: {  	p0 =	seq.s32 s5, $0x0;
	s5 =	sld [smem:$0x3FA8]  }
0x2b: {  	s6 =	sld [smem:$0x3FA9]  }
0x2c: {  	s7 =	sld [smem:$0x3FAA]  }
0x2d: {  	s3 =	simm.s32 $0x108;
	s8 =	sld [smem:$0x3FAB]  }
0x2e: {  	s3 =	simm.s32 @!p0 $0x1082;
	s9 =	sld [smem:$0x3FAC]  }
0x2f: {  	lr =	sadd.s32 s0, s3;
	s0 =	sld [smem:$0x3FA3]  }
0x30: {  	s3 =	sld [smem:$0x3FA6]  }
0x31: {  	[smem:$0x3FAF] =	sst s10  }
0x32: {  	s10 =	sld [smem:$0x3FAD];
	_ =	sdelay $0x3  }
0x33: {  	p0 =	seq.s32 s10, $0x1;
	s10 =	sld [smem:$0x3FAF];
	_ =	sdelay $0x3  }
0x34: {  	[smem:$0x3FAF] =	sst s10  }
0x35: {  	s10 =	sld [smem:$0x3FAE];
	_ =	sdelay $0x3  }
0x36: {  	p1 =	seq.s32 s10, $0x1;
	s10 =	sld [smem:$0x3FAF];
	_ =	sdelay $0x3  }
0x37: {  	[smem:$0x3FAF] =	sst s10  }
0x38: {  	s10 =	sld [smem:$0x3FB0]  }
0x39: {  	_ = 	snop;
	(pc) =	sbr.ind lr, $3  }
0x3a: {  	_ = 	snop  }
0x3b: {  	_ = 	snop  }
0x3c: {  	p2 =	seq.s32 s10, $0x1;
	s10 =	sld [smem:$0x3FAF]  }
0x3d: {  	_ =	shalt  }
0x3e: {  	_ =	shalt  }
0x3f: {  	_ =	shalt  }
0x40: {  	_ =	shalt  }
0x41: {  	_ =	shalt  }
0x42: {  	_ =	shalt  }
0x43: {  	_ =	shalt  }
0x44: {  	_ =	shalt  }
0x45: {  	_ =	shalt  }
0x46: {  	_ =	shalt  }
0x47: {  	_ =	shalt  }
0x48: {  	_ =	shalt  }
0x49: {  	_ =	shalt  }
0x4a: {  	_ =	shalt  }
0x4b: {  	_ =	shalt  }
0x4c: {  	_ =	shalt  }
0x4d: {  	_ =	shalt  }
0x4e: {  	_ =	shalt  }
0x4f: {  	_ =	shalt  }
0x50: {  	_ =	shalt  }
0x51: {  	_ =	shalt  }
0x52: {  	_ =	shalt  }
0x53: {  	_ =	shalt  }
0x54: {  	_ =	shalt  }
0x55: {  	_ =	shalt  }
0x56: {  	_ =	shalt  }
0x57: {  	_ =	shalt  }
0x58: {  	_ =	shalt  }
0x59: {  	_ =	shalt  }
0x5a: {  	_ =	shalt  }
0x5b: {  	_ =	shalt  }
0x5c: {  	_ =	shalt  }
0x5d: {  	_ =	shalt  }
0x5e: {  	_ =	shalt  }
0x5f: {  	_ =	shalt  }
0x60: {  	_ =	shalt  }
0x61: {  	_ =	shalt  }
0x62: {  	_ =	shalt  }
0x63: {  	_ =	shalt  }
0x64: {  	_ =	shalt  }
0x65: {  	_ =	shalt  }
0x66: {  	_ =	shalt  }
0x67: {  	_ =	shalt  }
0x68: {  	_ =	shalt  }
0x69: {  	_ =	shalt  }
0x6a: {  	_ =	shalt  }
0x6b: {  	_ =	shalt  }
0x6c: {  	_ =	shalt  }
0x6d: {  	_ =	shalt  }
0x6e: {  	_ =	shalt  }
0x6f: {  	_ =	shalt  }
0x70: {  	_ =	shalt  }
0x71: {  	_ =	shalt  }
0x72: {  	_ =	shalt  }
0x73: {  	_ =	shalt  }
0x74: {  	_ =	shalt  }
0x75: {  	_ =	shalt  }
0x76: {  	_ =	shalt  }
0x77: {  	_ =	shalt  }
0x78: {  	_ =	shalt  }
0x79: {  	_ =	shalt  }
0x7a: {  	_ =	shalt  }
0x7b: {  	_ =	shalt  }
0x7c: {  	_ =	shalt  }
0x7d: {  	_ =	shalt  }
0x7e: {  	_ =	shalt  }
0x7f: {  	_ =	shalt  }
0x80: {  	_ =	shalt  }
0x81: {  	_ =	shalt  }
0x82: {  	_ =	shalt  }
0x83: {  	_ =	shalt  }
0x84: {  	_ =	shalt  }
0x85: {  	_ =	shalt  }
0x86: {  	_ =	shalt  }
0x87: {  	_ =	shalt  }
.Lfunc_end0:
.L_simem_size_0:
called_computation_lowered:
.L_overlay_start_0:
0x88: {  	s2 =	sld [smem:$0x3FD9]  }
0x89: {  	s3 =	sld [smem:$0x3FFE];
	_ =	sdelay $0x1  }
0x8a: {  	s1 =	srdreg.scid  }
0x8b: {  	s0 =	sand.u32 $0x1, s1  }
0x8c: {  	s14 =	sshll.u32 s0, $0xA;
	s2 =	sadd.s32 s3, s2  }
0x8d: {  	s2 =	sadd.s32 s2, s14  }
0x8e: {  	[smem:$0x3FBB] =	sst s2  }
0x8f: {  	_ = 	snop  }
0x90: {  	s2 =	sld [smem:$0x3FD0];
	_ =	sdelay $0x2  }
0x91: {  	s15 =	simm.s32 $0xA;
	s4 =	simm.s32 $0x10  }
0x92: {  	[smem:s4], [sflag:s15] =	dma.local [hbm:s2], $0x1  }
0x93: {  	_ =	swait.eq [sflag:s15], $0x1  }
0x94: {  	[sflag:s15] =	ssyncset.done $0x0  }
0x95: {  	s16 =	sld [smem:$0x10];
	[sflag:s15] =	ssyncadd.s32 $0xFFFFFFFF  }
0x96: {  	s17 =	sld [smem:$0x11];
	(tm) =	ssettm $0x1  }
0x97: {  	s18 =	sld [smem:$0x3FFB];
	_ =	sdelay $0x3  }
0x98: {  	_ =	strace s18  }
0x99: {  	s4 =	sld [smem:$0x3FFC];
	_ =	sdelay $0x3  }
0x9a: {  	_ =	strace s4  }
0x9b: {  	s4 =	sld [smem:$0x3FFD];
	_ =	sdelay $0x3  }
0x9c: {  	_ =	strace s4  }
0x9d: {  	_ =	strace $0x8FFFFFFF  }
0x9e: {  	s19 =	sld [smem:$0x3FDB];
	_ =	sdelay $0x1  }
0x9f: {  	s5 =	simm.s32 $_scs_section_size  }
0xa0: {  	s6 =	simm.s32 $_size__tile_overlayer_lowered;
	s7 =	simm.s32 $_tile_overlayer_lowered  }
0xa1: {  	s22 =	simm.s32 $0x1BFF;
	s21 =	sshll.u32 s7, $0x1;
	s4 =	sadd.s32 s5, s19  }
0xa2: {  	s8 =	simm.s32 $0x0;
	s20 =	sshll.u32 s6, $0x1;
	s6 =	sadd.s32 s21, s4  }
0xa3: {  	[timem:s8], [sflag:s22] =	dma.local [hbm:s6], s20  }
0xa4: {  	_ =	swait.ge [sflag:s22], s20  }
0xa5: {  	s5 =	ssub.s32 $0x0, s20;
	[sflag:s22] =	ssyncset.done $0x0  }
0xa6: {  	[sflag:s22] =	ssyncadd.s32 s5;
	_ =	sdelay $0x1  }
0xa7: {  	s23 =	simm.s32 $0x1B8B  }
0xa8: {  	_ =	swait.ge [sflag:s23], $0x1  }
0xa9: {  	[sflag:s23] =	ssyncset.done $0x0  }
0xaa: {  	s25 =	simm.s32 $0x1B8E;
	s24 =	sld [smem:$0x3FFE];
	[sflag:s23] =	ssyncadd.s32 $0xFFFFFFFF  }
0xab: {  	s26 =	simm.s32 $execute0_lowered;
	[smem:$0x3FD2] =	sst s25  }
0xac: {  	s6 =	sshll.u32 s26, $0x1;
	_ =	strace $0x80000049;
	[dreg:$0x1] =	wrdreg $0xFFFFFFFF  }
0xad: {  	s28 =	simm.s32 $_size_execute0_lowered;
	s4 =	sadd.s32 s4, s6;
	[dreg:$0x0] =	wrdreg $0x0  }
0xae: {  	s6 =	sshll.u32 s28, $0x1;
	[dreg:$0x2] =	wrdreg s4  }
0xaf: {  	[dreg:$0x3] =	wrdreg s6  }
0xb0: {  	[dreg:$0x4] =	wrdreg $0xC0  }
0xb1: {  	_ =	task [dreg:s8], $0x5FFFF  }
0xb2: {  	[dreg:$0x1] =	wrdreg $0xFFFFFFFF  }
0xb3: {  	[dreg:$0x0] =	wrdreg $0x60  }
0xb4: {  	[dreg:$0x2] =	wrdreg s16  }
0xb5: {  	[dreg:$0x3] =	wrdreg s24  }
0xb6: {  	[dreg:$0x4] =	wrdreg s17  }
0xb7: {  	[dreg:$0x5] =	wrdreg $0xCD000  }
0xb8: {  	[dreg:$0x6] =	wrdreg $0x9  }
0xb9: {  	_ =	task.clear_ibuf [dreg:s8], $0x7FFFF;
	_ =	strace $0x90000049  }
0xba: {  	s29 =	simm.s32 $0x9;
	_ =	strace $0x8000004B  }
0xbb: {  	_ =	swait.ge [sflag:s29], $0x1  }
0xbc: {  	[sflag:s29] =	ssyncadd.s32 $0xFFFFFFFF  }
0xbd: {  	_ =	strace $0x9000004B  }
0xbe: {  	_ =	sfence  }
0xbf: {  	s30 =	sld [smem:$0x0];
	_ =	sdelay $0x2  }
0xc0: {  	s31 =	sshll.u32 s1, $0xD;
	s1 =	sshrl.u32 s1, $0x2  }
0xc1: {  	s3 =	sand.u32 $0x4000, s31;
	s1 =	sadd.s32 s1, s30  }
0xc2: {  	s0 =	sor.u32 s3, s0;
	s1 =	sshll.u32 s1, $0x11  }
0xc3: {  	s0 =	sor.u32 s1, s0  }
0xc4: {  	s0 =	sadd.s32 $0x8F2B, s0  }
0xc5: {  	[sflag:s0] =	ssyncadd.remote.s32 $0x1  }
0xc6: {  	_ =	sfence.sel $0xFFFF  }
0xc7: {  	[dreg:$0x0] =	wrdreg $0xFFFFFFFF;
	(pc) =	sbr.abs _section_cstart, $3  }
0xc8: {  	[dreg:$0x1] =	wrdreg $0xFFFFFFFF  }
0xc9: {  	_ =	task.clear_ibuf [dreg:s8], $0x2FFFF;
	_ =	strace $0x9FFFFFFF  }
0xca: {  	(tm) =	ssettm $0x7FFFFFFF  }
0xcb: {  	_ =	shalt  }
tec
execute0_lowered:
.L_overlay_start_1:
0x0: {  	(tag) =	ssettag $0x1  }
0x1: {  	s1 =	rddreg [dreg:$0x0]  }
0x2: {  	s5 =	rddreg [dreg:$0x1]  }
0x3: {  	s7 =	rddreg [dreg:$0x2]  }
0x4: {  	s3 =	rddreg [dreg:$0x3]  }
0x5: {  	s0 =	rddreg [dreg:$0x4];
	s2 =	stileid.u32  }
0x6: {  	s4 =	simm.s32 $0x0;
	s8 =	srdreg.scid;
	s6 =	smul.u32 $0x9C4, s2  }
0x7: {  	s14 =	simm.s32 $0x100;
	s16 =	simm.s32 $0x1;
	s9 =	smul.u32 $0x27000, s2  }
0x8: {  	s17 =	simm.s32 $0x0;
	s8 =	sand.u32 $0x1, s8;
	s29 =	smul.u32 $0x1380, s2  }
0x9: {  	[smem:$0x7FF] =	sst s4;
	p0 =	seq.s32 s2, $0xF;
	s11 =	smul.u32 $0x13900, s8  }
0xa: {  	_ =	strace $0x8000004A;
	s10 =	ssub.s32 $0x2, s8;
	s13 =	smul.u32 $0x9C800, s8  }
0xb: {  	s15 =	smul.u32 $0xFFFFEC78, s8;
	s12 =	sadd.s32 s6, s5;
	s26 =	sshrl.u32 s10, $0x1  }
0xc: {  	s28 =	sshrl.u32 s9, $0x2;
	s6 =	sadd.s32 $0x92400, s3;
	s10 =	ssub.s32 s10, s26  }
0xd: {  	s5 =	sadd.s32 s28, s3;
	s13 =	sshrl.u32 s13, $0x3;
	s30 =	sadd.s32 s29, s11  }
0xe: {  	s11 =	sadd.s32 $0xCC00, s12;
	v0 =	vmov s15;
	s15 =	simm.s32 $0x80;
	s31 =	sadd.s32 s7, s13  }
0xf: {  	s7 =	sadd.s32 s7, s30;
	s9 =	smax.u32 s10, $0x1;
	s10 =	sadd.s32 $0x2C00, s12  }
0x10: {  	v1 =	vimm.f32 $0.0e+00;
	s12 =	simm.s32 $0x2;
	s13 =	simm.s32 $0x50;
	s8 =	sadd.s32 $0x12480, s31  }
.LBB2_1:
0x11: {  	s18 =	simm.s32 $0x0;
	s19 =	simm.s32 $0x200  }
.LBB2_2:
0x12: {  	p1 =	sne.s32 s19, $0x28E00;
	[tilespmem:s18+$0x2970] =	vst v1  }
0x13: {  	[tilespmem:s18+$0x2900] =	vst v1  }
0x14: {  	[tilespmem:s18+$0x2910] =	vst v1  }
.Ltmp0:
0x15: {  	[tilespmem:s18+$0x2920] =	vst v1;
	(pc) =	sbr.rel @p1 .LBB2_2-.Ltmp0, $4  }
0x16: {  	[tilespmem:s18+$0x2930] =	vst v1  }
0x17: {  	[tilespmem:s18+$0x2940] =	vst v1  }
0x18: {  	[tilespmem:s18+$0x2950] =	vst v1  }
0x19: {  	[tilespmem:s18+$0x2960] =	vst v1;
	s18 =	sshra.s32 s19, $0x2;
	s19 =	sadd.s32 $0x200, s19  }
0x1a: {  	[tilespmem:s18+$0x2970] =	vst v1  }
0x1b: {  	[tilespmem:s18+$0x2900] =	vst v1  }
0x1c: {  	[tilespmem:s18+$0x2910] =	vst v1  }
0x1d: {  	[tilespmem:s18+$0x2920] =	vst v1  }
0x1e: {  	[tilespmem:s18+$0x2930] =	vst v1  }
0x1f: {  	[tilespmem:s18+$0x2940] =	vst v1  }
0x20: {  	[tilespmem:s18+$0x2950] =	vst v1  }
0x21: {  	[tilespmem:s18+$0x2960] =	vst v1;
	s18 =	simm.s32 @p0 $0x2900  }
0x22: {  	[spmem:s6] =	stream.linear.scatter @p0 [tilespmem:s18], [sflag:$0x2], $0xA400, $0x38;
	[tilespmem:$0x16980] =	vst v63  }
0x23: {  	s18 =	simm.s32 @p0 $0x2  }
0x24: {  	_ =	swait.ge @p0 [sflag:s18], $0xA400  }
0x25: {  	[sflag:s18] =	ssyncset.done @p0 $0x0  }
0x26: {  	[sflag:s18] =	ssyncadd.s32 @p0 $0xFFFF5C00;
	s18 =	simm.s32 @!p0 $0x2900  }
0x27: {  	[spmem:s5] =	stream.linear.scatter @!p0 [tilespmem:s18], [sflag:$0x2], $0x9C00, $0x38;
	[tilespmem:$0x16980] =	vst v63  }
0x28: {  	s18 =	simm.s32 @!p0 $0x2  }
0x29: {  	_ =	swait.ge @!p0 [sflag:s18], $0x9C00  }
0x2a: {  	[sflag:s18] =	ssyncset.done @!p0 $0x0  }
0x2b: {  	[sflag:s18] =	ssyncadd.s32 @!p0 $0xFFFF6400  }
0x2c: {  	s30 =	sadd.s32 $0x0, s11;
	[bflag:$0x0] =	sbarrier.arrive $0xFFFF  }
0x2d: {  	[tilespmem:s4], [sflag:$0x2] =	stream.linear.gather [hbm4b:s30+s4], $0x50, $0x38;
	[tilespmem:$0x16980] =	vst v63  }
0x2e: {  	_ =	swait.ge [sflag:s12], $0x50  }
0x2f: {  	[sflag:s12] =	ssyncset.done $0x0  }
0x30: {  	[sflag:s12] =	ssyncadd.s32 $0xFFFFFFB0  }
0x31: {  	[tilespmem:s14], [sflag:$0x1] =	stream.indirect.gather [hbm4b:s1+s13], $0x80, s4, s13, $0xb8;
	[tilespmem:$0x16980] =	vst v63  }
0x32: {  	s31 =	sadd.s32 $0x0, s10  }
0x33: {  	[tilespmem:s15], [sflag:$0x2] =	stream.linear.gather [hbm4b:s31+s4], $0x50, $0x38;
	[tilespmem:$0x16980] =	vst v63  }
0x34: {  	_ =	swait.ge [sflag:s12], $0x50  }
0x35: {  	[sflag:s12] =	ssyncset.done $0x0  }
0x36: {  	[sflag:s12] =	ssyncadd.s32 $0xFFFFFFB0  }
0x37: {  	v2 =	vld [tilespmem:$0xC0]  }
0x38: {  	v3 =	vld [tilespmem:$0xA0]  }
0x39: {  	v4 =	vld [tilespmem:$0xB0]  }
0x3a: {  	v5 =	vld [tilespmem:$0x80]  }
0x3b: {  	v6 =	vld [tilespmem:$0x90]  }
0x3c: {  	v2 =	vadd.s32 v0, v2  }
0x3d: {  	v3 =	vadd.s32 v0, v3;
	v2 =	vmin.u32 v2, $0x1388  }
0x3e: {  	v4 =	vadd.s32 v0, v4;
	v3 =	vmin.u32 v3, $0x1388;
	[tilespmem:$0xC0] =	vst v2  }
0x3f: {  	v2 =	vadd.s32 v0, v5;
	[tilespmem:$0xA0] =	vst v3;
	v3 =	vmin.u32 v4, $0x1388  }
0x40: {  	v63 =	vadd.s32 v0, v6;
	v2 =	vmin.u32 v2, $0x1388;
	[tilespmem:$0xB0] =	vst v3  }
0x41: {  	[tilespmem:$0x80] =	vst v2;
	v2 =	vmin.u32 v63, $0x1388  }
0x42: {  	[tilespmem:$0x90] =	vst v2  }
0x43: {  	_ =	swait.ge [sflag:s16], $0x2800  }
0x44: {  	s18 =	simm.s32 $0xA;
	[sflag:s16] =	ssyncset.done $0x0  }
.LBB2_4:
0x45: {  	p1 =	sne.s32 s18, $0x9BA  }
0x46: {  	[sflag:s16] =	ssyncadd.s32 $0xFFFFD800;
	s19 =	smov.u32 s18;
	s18 =	sadd.s32 $0xA, s18  }
0x47: {  	[spmem:s3] =	stream.indirect.scatter.add.f32 [tilespmem:s14], [sflag:$0x2], $0x80, s15, s13, $0xb8;
	[tilespmem:$0x16980] =	vst v63  }
0x48: {  	_ =	swait.ge [sflag:s12], $0x2800  }
0x49: {  	[sflag:s12] =	ssyncset.done $0x0  }
0x4a: {  	s20 =	sadd.s32 s19, s11;
	[sflag:s12] =	ssyncadd.s32 $0xFFFFD800  }
0x4b: {  	[tilespmem:s4], [sflag:$0x2] =	stream.linear.gather [hbm4b:s20+s4], $0x50, $0x38;
	[tilespmem:$0x16980] =	vst v63  }
0x4c: {  	_ =	swait.ge [sflag:s12], $0x50  }
0x4d: {  	[sflag:s12] =	ssyncset.done $0x0  }
0x4e: {  	[sflag:s12] =	ssyncadd.s32 $0xFFFFFFB0  }
0x4f: {  	[tilespmem:s14], [sflag:$0x1] =	stream.indirect.gather [hbm4b:s1+s13], $0x80, s4, s13, $0xb8;
	[tilespmem:$0x16980] =	vst v63  }
0x50: {  	s19 =	sadd.s32 s19, s10  }
0x51: {  	[tilespmem:s15], [sflag:$0x2] =	stream.linear.gather [hbm4b:s19+s4], $0x50, $0x38;
	[tilespmem:$0x16980] =	vst v63  }
0x52: {  	_ =	swait.ge [sflag:s12], $0x50  }
0x53: {  	[sflag:s12] =	ssyncset.done $0x0  }
0x54: {  	[sflag:s12] =	ssyncadd.s32 $0xFFFFFFB0  }
0x55: {  	v2 =	vld [tilespmem:$0xC0]  }
0x56: {  	v3 =	vld [tilespmem:$0xA0]  }
0x57: {  	v4 =	vld [tilespmem:$0xB0]  }
0x58: {  	v5 =	vld [tilespmem:$0x80]  }
0x59: {  	v6 =	vld [tilespmem:$0x90]  }
0x5a: {  	v2 =	vadd.s32 v0, v2  }
0x5b: {  	v3 =	vadd.s32 v0, v3;
	v2 =	vmin.u32 v2, $0x1388  }
0x5c: {  	v3 =	vmin.u32 v3, $0x1388;
	v4 =	vadd.s32 v0, v4;
	[tilespmem:$0xC0] =	vst v2  }
0x5d: {  	v2 =	vadd.s32 v0, v5;
	[tilespmem:$0xA0] =	vst v3;
	v3 =	vmin.u32 v4, $0x1388  }
.Ltmp1:
0x5e: {  	v2 =	vmin.u32 v2, $0x1388;
	v4 =	vadd.s32 v0, v6;
	[tilespmem:$0xB0] =	vst v3;
	(pc) =	sbr.rel @p1 .LBB2_4-.Ltmp1, $4  }
0x5f: {  	[tilespmem:$0x80] =	vst v2;
	v2 =	vmin.u32 v4, $0x1388  }
0x60: {  	[tilespmem:$0x90] =	vst v2  }
0x61: {  	_ =	swait.ge [sflag:s16], $0x2800  }
0x62: {  	[sflag:s16] =	ssyncset.done $0x0  }
0x63: {  	[sflag:s16] =	ssyncadd.s32 $0xFFFFD800  }
0x64: {  	[spmem:s3] =	stream.indirect.scatter.add.f32 [tilespmem:s14], [sflag:$0x2], $0x80, s15, s13, $0xb8;
	[tilespmem:$0x16980] =	vst v63  }
0x65: {  	_ =	swait.ge [sflag:s12], $0x2800  }
0x66: {  	[sflag:s12] =	ssyncset.done $0x0  }
0x67: {  	[sflag:s12] =	ssyncadd.s32 $0xFFFFD800  }
0x68: {  	s18 =	simm.s32 @p0 $0x2900;
	s19 =	simm.s32 @p0 $0x2;
	[bflag:$0x0] =	sbarrier.arrive $0xFFFF  }
0x69: {  	[tilespmem:s18], [sflag:$0x2] =	stream.linear.gather @p0 [spmem:s6], $0xA400, $0x38;
	[tilespmem:$0x16980] =	vst v63  }
0x6a: {  	_ =	swait.ge @p0 [sflag:s19], $0xA400  }
0x6b: {  	[sflag:s19] =	ssyncset.done @p0 $0x0  }
0x6c: {  	s20 =	simm.s32 @p0 $0x0;
	[sflag:s19] =	ssyncadd.s32 @p0 $0xFFFF5C00  }
0x6d: {  	[hbm4b:s8+s20] =	stream.linear.scatter @p0 [tilespmem:s18], [sflag:$0x2], $0xA400, $0x38;
	[tilespmem:$0x16980] =	vst v63  }
0x6e: {  	_ =	swait.ge @p0 [sflag:s19], $0xA400  }
0x6f: {  	[sflag:s19] =	ssyncset.done @p0 $0x0  }
0x70: {  	s18 =	simm.s32 @!p0 $0x2900;
	[sflag:s19] =	ssyncadd.s32 @p0 $0xFFFF5C00;
	s19 =	simm.s32 @!p0 $0x2  }
0x71: {  	[tilespmem:s18], [sflag:$0x2] =	stream.linear.gather @!p0 [spmem:s5], $0x9C00, $0x38;
	[tilespmem:$0x16980] =	vst v63  }
0x72: {  	s17 =	sadd.s32 $0x1, s17;
	_ =	swait.ge @!p0 [sflag:s19], $0x9C00  }
0x73: {  	p1 =	sne.s32 s17, s9;
	[sflag:s19] =	ssyncset.done @!p0 $0x0  }
.Ltmp2:
0x74: {  	s20 =	simm.s32 @!p0 $0x0;
	[sflag:s19] =	ssyncadd.s32 @!p0 $0xFFFF6400;
	(pc) =	sbr.rel @p1 .LBB2_1-.Ltmp2, $4  }
0x75: {  	[hbm4b:s7+s20] =	stream.linear.scatter @!p0 [tilespmem:s18], [sflag:$0x2], $0x9C00, $0x38;
	[tilespmem:$0x16980] =	vst v63  }
0x76: {  	_ =	swait.ge @!p0 [sflag:s19], $0x9C00  }
0x77: {  	[sflag:s19] =	ssyncset.done @!p0 $0x0  }
0x78: {  	[sflag:s19] =	ssyncadd.s32 @!p0 $0xFFFF6400  }
0x79: {  	_ =	sfence.sel $0x180000  }
0x7a: {  	[bflag:$0x0] =	sbarrier.arrive $0xFFFF  }
0x7b: {  	p0 =	sne.s32 s2, $0x0;
	_ =	strace $0x9000004A  }
0x7c: {  	s0 =	sadd.s32 @!p0 $0x100000, s0;
	[bflag:$0x2] =	sbarrier.arrive $0xFFFF  }
0x7d: {  	[sflag:s0] =	ssyncadd.tile.s32 @!p0 $0x1;
	_ =	shalt  }
.Lfunc_end2:
_tile_overlayer_lowered:
.L_overlay_start_2:
0x7e: {  	(tag) =	ssettag $0x2  }
0x7f: {  	s0 =	rddreg [dreg:$0x0];
	s2 =	stileid.u32  }
0x80: {  	s1 =	rddreg [dreg:$0x1];
	p0 =	sne.s32 s2, $0x0  }
0x81: {  	s3 =	rddreg [dreg:$0x2];
	[bflag:$0x3] =	sbarrier.arrive $0xFFFF;
	s2 =	simm.s32 @!p0 $0x1C02  }
0x82: {  	[timem:s3], [sflag:s2] =	dma.local @!p0 [hbm:s0], s1  }
0x83: {  	s0 =	simm.s32 @!p0 $0x2  }
0x84: {  	_ =	swait.ge @!p0 [sflag:s0], s1  }
0x85: {  	s1 =	ssub.s32 @!p0 $0x0, s1;
	[sflag:s0] =	ssyncset.done @!p0 $0x0  }
0x86: {  	[sflag:s0] =	ssyncadd.s32 @!p0 s1  }
0x87: {  	[bflag:$0x3] =	sbarrier.arrive $0xFFFF  }
0x88: {  	_ =	shalt  }

// kernel: kernel.4.cloned.1.call-start
scs
__scs_entry_jumppad:
0x0: {  	(pc) =	sbr.rel $0x88, $3  }
0x1: {  	(tag) =	ssettag $0x0;
	lr =	simm.s32 $0x1  }
0x2: {  	[smem:$0x3F94] =	sst lr;
	_ =	strace $0xD0000000  }
0x3: {  	_ = 	snop  }
0x4: {  	_ = 	snop  }
0x5: {  	_ = 	snop  }
0x6: {  	_ = 	snop  }
0x7: {  	_ = 	snop  }
__scs_overlays_trampoline_lowered:
0x8: {  	[smem:$0x3FA3] =	sst s0  }
0x9: {  	[smem:$0x3FA4] =	sst s1  }
0xa: {  	[smem:$0x3FA5] =	sst s2  }
0xb: {  	[smem:$0x3FA6] =	sst s3  }
0xc: {  	[smem:$0x3FA7] =	sst s4  }
0xd: {  	[smem:$0x3FA8] =	sst s5  }
0xe: {  	[smem:$0x3FA9] =	sst s6  }
0xf: {  	[smem:$0x3FAA] =	sst s7  }
0x10: {  	[smem:$0x3FAB] =	sst s8  }
0x11: {  	[smem:$0x3FAC] =	sst s9;
	s0 =	simm.s32 @!p0 $0x0  }
0x12: {  	s1 =	sld [smem:$0x3F92];
	s0 =	simm.s32 @p0 $0x1  }
0x13: {  	[smem:$0x3FAD] =	sst s0;
	s0 =	simm.s32 @!p1 $0x0  }
0x14: {  	s2 =	sld [smem:$0x3F91];
	s0 =	simm.s32 @p1 $0x1  }
0x15: {  	[smem:$0x3FAE] =	sst s0;
	s0 =	simm.s32 @!p2 $0x0  }
0x16: {  	s3 =	sld [smem:$0x3FDB];
	s0 =	simm.s32 @p2 $0x1  }
0x17: {  	s4 =	simm.s32 $0x1BF5;
	[smem:$0x3FB0] =	sst s0  }
0x18: {  	s0 =	sld [smem:$0x3F93];
	_ =	swait.ge [sflag:s4], $0x0  }
0x19: {  	s7 =	sld [smem:$0x3F94]  }
0x1a: {  	s8 =	sadd.s32 $0xFFFFE003, lr  }
0x1b: {  	s9 =	sadd.s32 $0xFFFFFEF7, lr;
	s5 =	simm.s32 $0xFFFFFFFF;
	p2 =	slt.u32 s8, $0xFFFFF086  }
0x1c: {  	p1 =	slt.u32 s9, $0xF7A;
	s5 =	simm.s32 @!p2 $0x0  }
0x1d: {  	s5 =	simm.s32 @p1 $0x1;
	p0 =	seq.s32 s7, s2  }
0x1e: {  	s7 =	smul.u32 @!p0 $0xF7A, s2;
	p2 =	seq.s32 @!p0 s5, $0x0  }
0x1f: {  	s9 =	smul.u32 $0xF7A, s1;
	s8 =	simm.s32 @!p0 $0x1BF5;
	p2 =	por !p2, p0  }
0x20: {  	[sflag:s8] =	ssyncset.s32 @!p0 $0xFFFFF086;
	s6 =	sadd.s32 @!p0 s3, s7;
	s7 =	simm.s32 @!p0 $0x108  }
0x21: {  	s3 =	sadd.s32 s3, s9;
	s6 =	sadd.s32 @!p0 $0x88, s6;
	s7 =	simm.s32 @p2 $0x1082  }
0x22: {  	[simem:s7], [sflag:s8] =	dma.local @!p0 [hbm:s6], $0xF7A  }
0x23: {  	s9 =	sor.u32 $0xD0000000, s2;
	s6 =	simm.s32 $0x108;
	_ =	swait.ge @!p0 [sflag:s8], $0x0  }
0x24: {  	s3 =	sadd.s32 $0x88, s3;
	s6 =	simm.s32 @!p1 $0x1082;
	[sflag:s4] =	ssyncset.s32 $0xFFFFF086  }
0x25: {  	[simem:s6], [sflag:s4] =	dma.local [hbm:s3], $0xF7A  }
0x26: {  	[smem:$0x3F94] =	sst s1;
	(tag) =	ssettag s2;
	_ =	strace s9  }
0x27: {  	s1 =	sld [smem:$0x3FA4]  }
0x28: {  	s2 =	sld [smem:$0x3FA5]  }
0x29: {  	s4 =	sld [smem:$0x3FA7]  }
0x2a: {  	p0 =	seq.s32 s5, $0x0;
	s5 =	sld [smem:$0x3FA8]  }
0x2b: {  	s6 =	sld [smem:$0x3FA9]  }
0x2c: {  	s7 =	sld [smem:$0x3FAA]  }
0x2d: {  	s3 =	simm.s32 $0x108;
	s8 =	sld [smem:$0x3FAB]  }
0x2e: {  	s3 =	simm.s32 @!p0 $0x1082;
	s9 =	sld [smem:$0x3FAC]  }
0x2f: {  	lr =	sadd.s32 s0, s3;
	s0 =	sld [smem:$0x3FA3]  }
0x30: {  	s3 =	sld [smem:$0x3FA6]  }
0x31: {  	[smem:$0x3FAF] =	sst s10  }
0x32: {  	s10 =	sld [smem:$0x3FAD];
	_ =	sdelay $0x3  }
0x33: {  	p0 =	seq.s32 s10, $0x1;
	s10 =	sld [smem:$0x3FAF];
	_ =	sdelay $0x3  }
0x34: {  	[smem:$0x3FAF] =	sst s10  }
0x35: {  	s10 =	sld [smem:$0x3FAE];
	_ =	sdelay $0x3  }
0x36: {  	p1 =	seq.s32 s10, $0x1;
	s10 =	sld [smem:$0x3FAF];
	_ =	sdelay $0x3  }
0x37: {  	[smem:$0x3FAF] =	sst s10  }
0x38: {  	s10 =	sld [smem:$0x3FB0]  }
0x39: {  	_ = 	snop;
	(pc) =	sbr.ind lr, $3  }
0x3a: {  	_ = 	snop  }
0x3b: {  	_ = 	snop  }
0x3c: {  	p2 =	seq.s32 s10, $0x1;
	s10 =	sld [smem:$0x3FAF]  }
0x3d: {  	_ =	shalt  }
0x3e: {  	_ =	shalt  }
0x3f: {  	_ =	shalt  }
0x40: {  	_ =	shalt  }
0x41: {  	_ =	shalt  }
0x42: {  	_ =	shalt  }
0x43: {  	_ =	shalt  }
0x44: {  	_ =	shalt  }
0x45: {  	_ =	shalt  }
0x46: {  	_ =	shalt  }
0x47: {  	_ =	shalt  }
0x48: {  	_ =	shalt  }
0x49: {  	_ =	shalt  }
0x4a: {  	_ =	shalt  }
0x4b: {  	_ =	shalt  }
0x4c: {  	_ =	shalt  }
0x4d: {  	_ =	shalt  }
0x4e: {  	_ =	shalt  }
0x4f: {  	_ =	shalt  }
0x50: {  	_ =	shalt  }
0x51: {  	_ =	shalt  }
0x52: {  	_ =	shalt  }
0x53: {  	_ =	shalt  }
0x54: {  	_ =	shalt  }
0x55: {  	_ =	shalt  }
0x56: {  	_ =	shalt  }
0x57: {  	_ =	shalt  }
0x58: {  	_ =	shalt  }
0x59: {  	_ =	shalt  }
0x5a: {  	_ =	shalt  }
0x5b: {  	_ =	shalt  }
0x5c: {  	_ =	shalt  }
0x5d: {  	_ =	shalt  }
0x5e: {  	_ =	shalt  }
0x5f: {  	_ =	shalt  }
0x60: {  	_ =	shalt  }
0x61: {  	_ =	shalt  }
0x62: {  	_ =	shalt  }
0x63: {  	_ =	shalt  }
0x64: {  	_ =	shalt  }
0x65: {  	_ =	shalt  }
0x66: {  	_ =	shalt  }
0x67: {  	_ =	shalt  }
0x68: {  	_ =	shalt  }
0x69: {  	_ =	shalt  }
0x6a: {  	_ =	shalt  }
0x6b: {  	_ =	shalt  }
0x6c: {  	_ =	shalt  }
0x6d: {  	_ =	shalt  }
0x6e: {  	_ =	shalt  }
0x6f: {  	_ =	shalt  }
0x70: {  	_ =	shalt  }
0x71: {  	_ =	shalt  }
0x72: {  	_ =	shalt  }
0x73: {  	_ =	shalt  }
0x74: {  	_ =	shalt  }
0x75: {  	_ =	shalt  }
0x76: {  	_ =	shalt  }
0x77: {  	_ =	shalt  }
0x78: {  	_ =	shalt  }
0x79: {  	_ =	shalt  }
0x7a: {  	_ =	shalt  }
0x7b: {  	_ =	shalt  }
0x7c: {  	_ =	shalt  }
0x7d: {  	_ =	shalt  }
0x7e: {  	_ =	shalt  }
0x7f: {  	_ =	shalt  }
0x80: {  	_ =	shalt  }
0x81: {  	_ =	shalt  }
0x82: {  	_ =	shalt  }
0x83: {  	_ =	shalt  }
0x84: {  	_ =	shalt  }
0x85: {  	_ =	shalt  }
0x86: {  	_ =	shalt  }
0x87: {  	_ =	shalt  }
.Lfunc_end0:
.L_simem_size_0:
called_computation.1_lowered:
.L_overlay_start_0:
0x88: {  	s2 =	sld [smem:$0x3FD9]  }
0x89: {  	s3 =	sld [smem:$0x3FFE];
	_ =	sdelay $0x1  }
0x8a: {  	s1 =	srdreg.scid  }
0x8b: {  	s0 =	sand.u32 $0x1, s1  }
0x8c: {  	s14 =	sshll.u32 s0, $0xA;
	s2 =	sadd.s32 s3, s2  }
0x8d: {  	s2 =	sadd.s32 s2, s14  }
0x8e: {  	[smem:$0x3FBB] =	sst s2  }
0x8f: {  	_ = 	snop  }
0x90: {  	s2 =	sld [smem:$0x3FD0];
	_ =	sdelay $0x2  }
0x91: {  	s15 =	simm.s32 $0xA;
	s4 =	simm.s32 $0x10  }
0x92: {  	[smem:s4], [sflag:s15] =	dma.local [hbm:s2], $0x1  }
0x93: {  	_ =	swait.eq [sflag:s15], $0x1  }
0x94: {  	[sflag:s15] =	ssyncset.done $0x0  }
0x95: {  	[sflag:s15] =	ssyncadd.s32 $0xFFFFFFFF  }
0x96: {  	s16 =	sld [smem:$0x10];
	(tm) =	ssettm $0x1  }
0x97: {  	s17 =	sld [smem:$0x3FFB];
	_ =	sdelay $0x3  }
0x98: {  	_ =	strace s17  }
0x99: {  	s3 =	sld [smem:$0x3FFC];
	_ =	sdelay $0x3  }
0x9a: {  	_ =	strace s3  }
0x9b: {  	s3 =	sld [smem:$0x3FFD];
	_ =	sdelay $0x3  }
0x9c: {  	_ =	strace s3  }
0x9d: {  	_ =	strace $0x8FFFFFFF  }
0x9e: {  	s18 =	sld [smem:$0x3FDB];
	_ =	sdelay $0x1  }
0x9f: {  	s19 =	simm.s32 $_scs_section_size  }
0xa0: {  	s5 =	simm.s32 $_size__tile_overlayer_lowered;
	s6 =	simm.s32 $_tile_overlayer_lowered  }
0xa1: {  	s22 =	simm.s32 $0x1BFF;
	s21 =	sshll.u32 s6, $0x1;
	s3 =	sadd.s32 s19, s18  }
0xa2: {  	s7 =	simm.s32 $0x0;
	s20 =	sshll.u32 s5, $0x1;
	s5 =	sadd.s32 s21, s3  }
0xa3: {  	[timem:s7], [sflag:s22] =	dma.local [hbm:s5], s20  }
0xa4: {  	_ =	swait.ge [sflag:s22], s20  }
0xa5: {  	s4 =	ssub.s32 $0x0, s20;
	[sflag:s22] =	ssyncset.done $0x0  }
0xa6: {  	[sflag:s22] =	ssyncadd.s32 s4;
	_ =	sdelay $0x1  }
0xa7: {  	s23 =	simm.s32 $0x1B8B  }
0xa8: {  	_ =	swait.ge [sflag:s23], $0x1  }
0xa9: {  	[sflag:s23] =	ssyncset.done $0x0  }
0xaa: {  	s25 =	simm.s32 $0x1B8E;
	s24 =	sld [smem:$0x3FFE];
	[sflag:s23] =	ssyncadd.s32 $0xFFFFFFFF  }
0xab: {  	s26 =	simm.s32 $execute0_lowered;
	[smem:$0x3FD2] =	sst s25  }
0xac: {  	s5 =	sshll.u32 s26, $0x1;
	_ =	strace $0x80000046;
	[dreg:$0x1] =	wrdreg $0xFFFFFFFF  }
0xad: {  	s28 =	simm.s32 $_size_execute0_lowered;
	s3 =	sadd.s32 s3, s5;
	[dreg:$0x0] =	wrdreg $0x0  }
0xae: {  	s5 =	sshll.u32 s28, $0x1;
	[dreg:$0x2] =	wrdreg s3  }
0xaf: {  	[dreg:$0x3] =	wrdreg s5  }
0xb0: {  	[dreg:$0x4] =	wrdreg $0xC0  }
0xb1: {  	_ =	task [dreg:s7], $0x5FFFF  }
0xb2: {  	[dreg:$0x1] =	wrdreg $0xFFFFFFFF  }
0xb3: {  	[dreg:$0x0] =	wrdreg $0x60  }
0xb4: {  	[dreg:$0x2] =	wrdreg s24  }
0xb5: {  	[dreg:$0x3] =	wrdreg s16  }
0xb6: {  	[dreg:$0x4] =	wrdreg $0x3800  }
0xb7: {  	[dreg:$0x5] =	wrdreg $0x9  }
0xb8: {  	_ =	task.clear_ibuf [dreg:s7], $0x6FFFF;
	_ =	strace $0x90000046  }
0xb9: {  	s29 =	simm.s32 $0x9;
	_ =	strace $0x80000048  }
0xba: {  	_ =	swait.ge [sflag:s29], $0x1  }
0xbb: {  	[sflag:s29] =	ssyncadd.s32 $0xFFFFFFFF  }
0xbc: {  	_ =	strace $0x90000048  }
0xbd: {  	_ =	sfence  }
0xbe: {  	s30 =	sld [smem:$0x0];
	_ =	sdelay $0x2  }
0xbf: {  	s31 =	sshll.u32 s1, $0xD;
	s1 =	sshrl.u32 s1, $0x2  }
0xc0: {  	s3 =	sand.u32 $0x4000, s31;
	s1 =	sadd.s32 s1, s30  }
0xc1: {  	s0 =	sor.u32 s3, s0;
	s1 =	sshll.u32 s1, $0x11  }
0xc2: {  	s0 =	sor.u32 s1, s0  }
0xc3: {  	s0 =	sadd.s32 $0x8F2B, s0  }
0xc4: {  	[sflag:s0] =	ssyncadd.remote.s32 $0x1  }
0xc5: {  	_ =	sfence.sel $0xFFFF  }
0xc6: {  	[dreg:$0x0] =	wrdreg $0xFFFFFFFF;
	(pc) =	sbr.abs _section_cstart, $3  }
0xc7: {  	[dreg:$0x1] =	wrdreg $0xFFFFFFFF  }
0xc8: {  	_ =	task.clear_ibuf [dreg:s7], $0x2FFFF;
	_ =	strace $0x9FFFFFFF  }
0xc9: {  	(tm) =	ssettm $0x7FFFFFFF  }
tec
execute0_lowered:
.L_overlay_start_1:
0x0: {  	(tag) =	ssettag $0x1  }
0x1: {  	s4 =	rddreg [dreg:$0x0];
	s1 =	srdreg.scid  }
0x2: {  	s0 =	stileid.u32;
	s5 =	rddreg [dreg:$0x1]  }
0x3: {  	s2 =	rddreg [dreg:$0x2];
	s3 =	simm.s32 $0x0;
	s7 =	smul.u32 $0x4E20, s0  }
0x4: {  	s11 =	simm.s32 $0x80;
	s6 =	sand.u32 $0x1, s1;
	s9 =	smul.u32 $0x280, s0  }
0x5: {  	s12 =	simm.s32 $0x0;
	s1 =	rddreg [dreg:$0x3];
	s8 =	smul.u32 $0x2710, s6  }
0x6: {  	[smem:$0x7FF] =	sst s3;
	s10 =	smul.u32 $0x2800, s6;
	s6 =	ssub.s32 $0x2, s6  }
0x7: {  	_ =	strace $0x80000047;
	s30 =	sshrl.u32 s6, $0x1;
	s7 =	sadd.s32 s8, s7  }
0x8: {  	s10 =	sadd.s32 s9, s10;
	s6 =	ssub.s32 s6, s30;
	s8 =	simm.s32 $0x100  }
0x9: {  	s7 =	sshrl.u32 s7, $0x3;
	s31 =	sshrl.u32 s10, $0x3;
	s6 =	smax.u32 s6, $0x1  }
0xa: {  	s10 =	simm.s32 $0x50;
	s7 =	sadd.s32 s7, s4;
	s4 =	sadd.s32 s9, s2  }
0xb: {  	v0 =	vimm.f32 $0.0e+00;
	v1 =	vimm.f32 $1.000000000e+00;
	s5 =	sadd.s32 s5, s31;
	s9 =	simm.s32 $0x1;
	s7 =	sadd.s32 $0x2C00, s7  }
.LBB2_1:
0xc: {  	[tilespmem:$0x100] =	vst v0  }
0xd: {  	[tilespmem:$0x110] =	vst v0  }
0xe: {  	[tilespmem:$0x120] =	vst v0  }
0xf: {  	[tilespmem:$0x130] =	vst v0  }
0x10: {  	[tilespmem:$0x140] =	vst v0  }
0x11: {  	[tilespmem:$0x150] =	vst v0  }
0x12: {  	[tilespmem:$0x160] =	vst v0  }
0x13: {  	[tilespmem:$0x170] =	vst v0  }
0x14: {  	[tilespmem:$0x180] =	vst v0  }
0x15: {  	[tilespmem:$0x190] =	vst v0  }
0x16: {  	[tilespmem:$0x1A0] =	vst v0  }
0x17: {  	[tilespmem:$0x1B0] =	vst v0  }
0x18: {  	[tilespmem:$0x1C0] =	vst v0  }
0x19: {  	[tilespmem:$0x1D0] =	vst v0  }
0x1a: {  	[tilespmem:$0x1E0] =	vst v0  }
0x1b: {  	[tilespmem:$0x1F0] =	vst v0  }
0x1c: {  	[tilespmem:$0x200] =	vst v0  }
0x1d: {  	[tilespmem:$0x210] =	vst v0  }
0x1e: {  	[tilespmem:$0x220] =	vst v0  }
0x1f: {  	[tilespmem:$0x230] =	vst v0  }
0x20: {  	[tilespmem:$0x240] =	vst v0  }
0x21: {  	[tilespmem:$0x250] =	vst v0  }
0x22: {  	[tilespmem:$0x260] =	vst v0  }
0x23: {  	[tilespmem:$0x270] =	vst v0  }
0x24: {  	[tilespmem:$0x280] =	vst v0  }
0x25: {  	[tilespmem:$0x290] =	vst v0  }
0x26: {  	[tilespmem:$0x2A0] =	vst v0  }
0x27: {  	[tilespmem:$0x2B0] =	vst v0  }
0x28: {  	[tilespmem:$0x2C0] =	vst v0  }
0x29: {  	[tilespmem:$0x2D0] =	vst v0  }
0x2a: {  	[tilespmem:$0x2E0] =	vst v0  }
0x2b: {  	[tilespmem:$0x2F0] =	vst v0  }
0x2c: {  	[tilespmem:$0x300] =	vst v0  }
0x2d: {  	[tilespmem:$0x310] =	vst v0  }
0x2e: {  	[tilespmem:$0x320] =	vst v0  }
0x2f: {  	[tilespmem:$0x330] =	vst v0  }
0x30: {  	[tilespmem:$0x340] =	vst v0  }
0x31: {  	[tilespmem:$0x350] =	vst v0  }
0x32: {  	[tilespmem:$0x360] =	vst v0  }
0x33: {  	[tilespmem:$0x370] =	vst v0  }
0x34: {  	[tilespmem:$0x80] =	vst v1  }
0x35: {  	[tilespmem:$0x90] =	vst v1  }
0x36: {  	[tilespmem:$0xA0] =	vst v1  }
0x37: {  	[tilespmem:$0xB0] =	vst v1  }
0x38: {  	[tilespmem:$0xC0] =	vst v1  }
0x39: {  	[spmem:s4] =	stream.linear.scatter [tilespmem:s8], [sflag:$0x1], $0x280, $0x38;
	[tilespmem:$0x600] =	vst v63  }
0x3a: {  	_ =	swait.ge [sflag:s9], $0x280  }
0x3b: {  	[sflag:s9] =	ssyncset.done $0x0  }
0x3c: {  	[sflag:s9] =	ssyncadd.s32 $0xFFFFFD80  }
0x3d: {  	s13 =	sadd.s32 $0x0, s7;
	[bflag:$0x0] =	sbarrier.arrive $0xFFFF  }
0x3e: {  	[tilespmem:s3], [sflag:$0x1] =	stream.linear.gather [hbm4b:s13+s3], $0x50, $0x38;
	[tilespmem:$0x600] =	vst v63  }
0x3f: {  	_ =	swait.ge [sflag:s9], $0x50  }
0x40: {  	[sflag:s9] =	ssyncset.done $0x0  }
0x41: {  	[sflag:s9] =	ssyncadd.s32 $0xFFFFFFB0  }
0x42: {  	[spmem:s2] =	stream.indirect.scatter.add.f32 [tilespmem:s11], [sflag:$0x1], $0x1, s3, s10, $0xb8;
	[tilespmem:$0x600] =	vst v63  }
0x43: {  	_ =	swait.ge [sflag:s9], $0x50  }
0x44: {  	s14 =	simm.s32 $0x14;
	s13 =	simm.s32 $0xA;
	[sflag:s9] =	ssyncset.done $0x0  }
.LBB2_2:
0x45: {  	s15 =	sadd.s32 s13, s7  }
0x46: {  	[sflag:s9] =	ssyncadd.s32 $0xFFFFFFB0;
	s13 =	smov.u32 s14;
	s16 =	sadd.s32 $0xA, s14  }
0x47: {  	[tilespmem:s3], [sflag:$0x1] =	stream.linear.gather [hbm4b:s15+s3], $0x50, $0x38;
	[tilespmem:$0x600] =	vst v63  }
0x48: {  	p0 =	sne.s32 s14, $0x4D8;
	_ =	swait.ge [sflag:s9], $0x50  }
.Ltmp0:
0x49: {  	[sflag:s9] =	ssyncset.done $0x0;
	(pc) =	sbr.rel @p0 .LBB2_2-.Ltmp0, $4  }
0x4a: {  	[sflag:s9] =	ssyncadd.s32 $0xFFFFFFB0  }
0x4b: {  	[spmem:s2] =	stream.indirect.scatter.add.f32 [tilespmem:s11], [sflag:$0x1], $0x1, s3, s10, $0xb8;
	[tilespmem:$0x600] =	vst v63  }
0x4c: {  	_ =	swait.ge [sflag:s9], $0x50  }
0x4d: {  	s14 =	smov.u32 s16;
	[sflag:s9] =	ssyncset.done $0x0  }
0x4e: {  	s13 =	sadd.s32 s13, s7;
	[sflag:s9] =	ssyncadd.s32 $0xFFFFFFB0  }
0x4f: {  	[tilespmem:s3], [sflag:$0x1] =	stream.linear.gather [hbm4b:s13+s3], $0x50, $0x38;
	[tilespmem:$0x600] =	vst v63  }
0x50: {  	_ =	swait.ge [sflag:s9], $0x50  }
0x51: {  	[sflag:s9] =	ssyncset.done $0x0  }
0x52: {  	[sflag:s9] =	ssyncadd.s32 $0xFFFFFFB0  }
0x53: {  	[spmem:s2] =	stream.indirect.scatter.add.f32 [tilespmem:s11], [sflag:$0x1], $0x1, s3, s10, $0xb8;
	[tilespmem:$0x600] =	vst v63  }
0x54: {  	_ =	swait.ge [sflag:s9], $0x50  }
0x55: {  	[sflag:s9] =	ssyncset.done $0x0  }
0x56: {  	[sflag:s9] =	ssyncadd.s32 $0xFFFFFFB0  }
0x57: {  	[bflag:$0x0] =	sbarrier.arrive $0xFFFF  }
0x58: {  	[tilespmem:s8], [sflag:$0x1] =	stream.linear.gather [spmem:s4], $0x280, $0x38;
	[tilespmem:$0x600] =	vst v63  }
0x59: {  	s12 =	sadd.s32 $0x1, s12;
	_ =	swait.ge [sflag:s9], $0x280  }
0x5a: {  	p0 =	sne.s32 s12, s6;
	[sflag:s9] =	ssyncset.done $0x0  }
.Ltmp1:
0x5b: {  	[sflag:s9] =	ssyncadd.s32 $0xFFFFFD80;
	(pc) =	sbr.rel @p0 .LBB2_1-.Ltmp1, $4  }
0x5c: {  	[hbm4b:s5+s3] =	stream.linear.scatter [tilespmem:s8], [sflag:$0x1], $0x280, $0x38;
	[tilespmem:$0x600] =	vst v63  }
0x5d: {  	_ =	swait.ge [sflag:s9], $0x280  }
0x5e: {  	[sflag:s9] =	ssyncset.done $0x0  }
0x5f: {  	[sflag:s9] =	ssyncadd.s32 $0xFFFFFD80  }
0x60: {  	_ =	sfence.sel $0x180000  }
0x61: {  	[bflag:$0x0] =	sbarrier.arrive $0xFFFF  }
0x62: {  	p0 =	sne.s32 s0, $0x0;
	_ =	strace $0x90000047  }
0x63: {  	s0 =	sadd.s32 @!p0 $0x100000, s1;
	[bflag:$0x2] =	sbarrier.arrive $0xFFFF  }
0x64: {  	[sflag:s0] =	ssyncadd.tile.s32 @!p0 $0x1;
	_ =	shalt  }
.Lfunc_end2:
_tile_overlayer_lowered:
.L_overlay_start_2:
0x65: {  	(tag) =	ssettag $0x2  }
0x66: {  	s0 =	rddreg [dreg:$0x0];
	s2 =	stileid.u32  }
0x67: {  	s1 =	rddreg [dreg:$0x1];
	p0 =	sne.s32 s2, $0x0  }
0x68: {  	s3 =	rddreg [dreg:$0x2];
	[bflag:$0x3] =	sbarrier.arrive $0xFFFF;
	s2 =	simm.s32 @!p0 $0x1C01  }
0x69: {  	[timem:s3], [sflag:s2] =	dma.local @!p0 [hbm:s0], s1  }
0x6a: {  	s0 =	simm.s32 @!p0 $0x1  }
0x6b: {  	_ =	swait.ge @!p0 [sflag:s0], s1  }
0x6c: {  	s1 =	ssub.s32 @!p0 $0x0, s1;
	[sflag:s0] =	ssyncset.done @!p0 $0x0  }
0x6d: {  	[sflag:s0] =	ssyncadd.s32 @!p0 s1  }
0x6e: {  	[bflag:$0x3] =	sbarrier.arrive $0xFFFF  }
0x6f: {  	_ =	shalt  }

</sc_bundles>
